<compile_context>
chip_gen: v7x
topology: tpu7x:2x2x1
jax: 0.10.2.dev20260603
libtpu: 0.0.44.dev20260713+nightly
codegen_flags: <defaults>
</compile_context>

<pallas_src>
import jax
import jax.numpy as jnp
from jax import lax
from jax.experimental import pallas as pl
from jax.experimental.pallas import tpu as pltpu
from jax.experimental.pallas import tpu_sc as plsc

_NUM_EXPERTS = 16
_HIDDEN = 1024
_INTER = 2048
_JITTER = 0.01
_IC = 1024
_NC = _INTER // _IC
_LANES = 16
_NWORKERS = 32


def _sparsemixer_row(lv):
    neg_inf = jnp.float32(-jnp.inf)
    lane = lax.iota(jnp.int32, _LANES)
    t1 = lax.reduce_max(lv, (0,))
    oh1 = lane == plsc.all_reduce_ffs(lv == t1)
    factor1 = jnp.maximum(jnp.abs(lv), t1)
    mask1 = ((t1 - lv) / factor1) > (2.0 * _JITTER)
    p1 = jnp.exp(jnp.where(mask1, neg_inf, lv) - t1)
    den1 = jnp.broadcast_to(lax.reduce_sum(p1, (0,)), (_LANES,))
    row1 = jnp.where(oh1, p1, 0.0) / den1
    s2 = jnp.where(oh1, neg_inf, lv)
    t2 = lax.reduce_max(s2, (0,))
    oh2 = lane == plsc.all_reduce_ffs(s2 == t2)
    factor2 = jnp.maximum(jnp.abs(lv), t2)
    mask2 = ((t2 - s2) / factor2) > (2.0 * _JITTER)
    p2 = jnp.exp(jnp.where(mask2, neg_inf, s2) - t2)
    den2 = jnp.broadcast_to(lax.reduce_sum(p2, (0,)), (_LANES,))
    row2 = jnp.where(oh2, p2, 0.0) / den2
    return row1 + row2


def _router_body(lg_hbm, out_hbm, lgv, wv):
    wid = lax.axis_index("s") * 2 + lax.axis_index("c")
    tpw = 4
    base = wid * tpw
    pltpu.sync_copy(lg_hbm.at[pl.ds(base, tpw)], lgv)
    for t in range(tpw):
        wv[t, :] = _sparsemixer_row(lgv[t, :])
    pltpu.sync_copy(wv, out_hbm.at[pl.ds(base, tpw)])


def _sc_router(logits):
    tokens = logits.shape[0]
    mesh = plsc.VectorSubcoreMesh(core_axis_name="c", subcore_axis_name="s")
    tpw = tokens // _NWORKERS
    run = pl.kernel(
        _router_body, mesh=mesh,
        out_type=jax.ShapeDtypeStruct((tokens, _NUM_EXPERTS), jnp.float32),
        scratch_types=[
            pltpu.VMEM((tpw, _NUM_EXPERTS), jnp.float32),
            pltpu.VMEM((tpw, _NUM_EXPERTS), jnp.float32),
        ],
        compiler_params=pltpu.CompilerParams(needs_layout_passes=False),
    )
    return run(logits)


def _logits_body(x_ref, gw_ref, out_ref):
    out_ref[...] = jax.lax.dot_general(
        x_ref[...].astype(jnp.bfloat16), gw_ref[...].astype(jnp.bfloat16),
        (((1,), (1,)), ((), ())), preferred_element_type=jnp.float32)


def _moe_body(x_ref, wts_ref, w1_ref, w3_ref, w2_ref, out_ref):
    e = pl.program_id(0)
    c = pl.program_id(1)
    first = (e == 0) & (c == 0)

    xb = x_ref[...].astype(jnp.bfloat16)
    w1b = w1_ref[0].astype(jnp.bfloat16)
    w3b = w3_ref[0].astype(jnp.bfloat16)
    a = jax.lax.dot_general(xb, w1b, (((1,), (1,)), ((), ())),
                            preferred_element_type=jnp.float32)
    g = jax.lax.dot_general(xb, w3b, (((1,), (1,)), ((), ())),
                            preferred_element_type=jnp.float32)
    h = (a * jax.nn.sigmoid(a)) * g
    w2b = w2_ref[0].astype(jnp.bfloat16)
    contrib = jax.lax.dot_general(h.astype(jnp.bfloat16), w2b,
                                  (((1,), (1,)), ((), ())),
                                  preferred_element_type=jnp.float32)
    tokens = contrib.shape[0]
    eidx = jax.lax.broadcasted_iota(jnp.int32, (tokens, _NUM_EXPERTS), 1)
    wcol = jnp.sum(jnp.where(eidx == e, wts_ref[...], 0.0), axis=1,
                   keepdims=True)
    upd = contrib * wcol

    @pl.when(first)
    def _():
        out_ref[...] = upd

    @pl.when(jnp.logical_not(first))
    def _():
        out_ref[...] += upd


def kernel(hidden_states, gate_w, w1, w2, w3):
    b, s, hdim = hidden_states.shape
    tokens = b * s
    x = hidden_states.reshape(tokens, hdim)
    logits = pl.pallas_call(
        _logits_body,
        out_shape=jax.ShapeDtypeStruct((tokens, _NUM_EXPERTS), jnp.float32),
    )(x, gate_w)
    wts = _sc_router(logits)
    out = pl.pallas_call(
        _moe_body,
        grid=(_NUM_EXPERTS, _NC),
        in_specs=[
            pl.BlockSpec((tokens, _HIDDEN), lambda e, c: (0, 0)),
            pl.BlockSpec((tokens, _NUM_EXPERTS), lambda e, c: (0, 0)),
            pl.BlockSpec((1, _IC, _HIDDEN), lambda e, c: (e, c, 0)),
            pl.BlockSpec((1, _IC, _HIDDEN), lambda e, c: (e, c, 0)),
            pl.BlockSpec((1, _HIDDEN, _IC), lambda e, c: (e, 0, c)),
        ],
        out_specs=pl.BlockSpec((tokens, _HIDDEN), lambda e, c: (0, 0)),
        out_shape=jax.ShapeDtypeStruct((tokens, _HIDDEN), jnp.float32),
        compiler_params=pltpu.CompilerParams(
            dimension_semantics=("arbitrary", "arbitrary")),
    )(x, wts, w1, w3, w2)
    return out.reshape(b, s, hdim)

# --- scband reference (transcript-rebuilt; emitter-appended) ---
"""Pipeline reference for scband-phi-mo-esparse-moe-block-52578989638363 (READ-ONLY COPY).

The authoritative reference and input builder live on the scoring server;
editing this copy changes nothing except your own understanding.
"""

import jax, jax.numpy as jnp
import numpy as np

NUM_EXPERTS = 16
TOP_K = 2
HIDDEN = 1024
INTER = 2048
BATCH = 32
SEQ = 4
JITTER = 0.01


def setup_inputs(seed: int = 0) -> dict:
    key = jax.random.key(seed)
    ks = jax.random.split(key, 5)
    hidden_states = jax.random.normal(ks[0], (BATCH, SEQ, HIDDEN), dtype=jnp.float32)
    gate_w = jax.random.normal(ks[1], (NUM_EXPERTS, HIDDEN), dtype=jnp.float32) * 0.02
    w1 = jax.random.normal(ks[2], (NUM_EXPERTS, INTER, HIDDEN), dtype=jnp.float32) * 0.02
    w2 = jax.random.normal(ks[3], (NUM_EXPERTS, HIDDEN, INTER), dtype=jnp.float32) * 0.02
    w3 = jax.random.normal(ks[4], (NUM_EXPERTS, INTER, HIDDEN), dtype=jnp.float32) * 0.02
    return {"hidden_states": hidden_states, "gate_w": gate_w, "w1": w1, "w2": w2, "w3": w3}


def _masked_sampling_omp_inference(scores, jitter_eps):
    # Faithful JAX port of the PhiMoE inference-time top-2 sparsemixer routing.
    num_experts = scores.shape[-1]
    top_vals, selected = jax.lax.top_k(scores, 2)
    t1 = top_vals[:, 0:1]
    t2 = top_vals[:, 1:2]
    # first expert multiplier
    factor1 = jnp.maximum(jnp.abs(scores), t1)  # clamp(min=t1)
    mask1 = ((t1 - scores) / factor1) > (2.0 * jitter_eps)
    masked_gates1 = jnp.where(mask1, -jnp.inf, scores)
    m1 = jax.nn.softmax(masked_gates1, axis=-1)
    mult1 = jnp.take_along_axis(m1, selected[:, 0:1], axis=-1)
    # mask out first expert, then second expert multiplier
    oh_first = selected[:, 0:1] == jnp.arange(num_experts)[None, :]
    scores2 = jnp.where(oh_first, -jnp.inf, scores)
    factor2 = jnp.maximum(jnp.abs(scores), t2)
    mask2 = ((t2 - scores2) / factor2) > (2.0 * jitter_eps)
    masked_gates2 = jnp.where(mask2, -jnp.inf, scores2)
    m2 = jax.nn.softmax(masked_gates2, axis=-1)
    mult2 = jnp.take_along_axis(m2, selected[:, 1:2], axis=-1)
    multiplier = jnp.concatenate([mult1, mult2], axis=-1)
    return multiplier, selected


def reference(hidden_states, gate_w, w1, w2, w3):
    B, S, H = hidden_states.shape
    x = hidden_states.reshape(-1, H)
    router_logits = x @ gate_w.T  # [T, E]
    routing_weights, selected = _masked_sampling_omp_inference(router_logits, JITTER)
    # note: PhiMoE does NOT normalize the top-2 routing weights
    final = jnp.zeros_like(x)
    for e in range(NUM_EXPERTS):
        h = jax.nn.silu(x @ w1[e].T) * (x @ w3[e].T)
        out_e = h @ w2[e].T
        w_tok = jnp.sum(jnp.where(selected == e, routing_weights, 0.0), axis=-1)
        final = final + out_e * w_tok[:, None]
    return final.reshape(B, S, H)

if __name__ == "__main__":
    import jax
    _d = setup_inputs()
    print(jax.jit(kernel)(*tuple(_d.values())))

</pallas_src>

<mosaic_0001>
#map = affine_map<(d0, d1) -> (0, 0)>
module attributes {stable_mosaic.version = 14 : i64} {
  func.func @_router_body(%arg0: i32, %arg1: i32, %arg2: memref<128x16xf32, #tpu.memory_space<hbm>>, %arg3: memref<128x16xf32, #tpu.memory_space<hbm>>, %arg4: memref<4x16xf32, #tpu.memory_space<vmem>>, %arg5: memref<4x16xf32, #tpu.memory_space<vmem>>) attributes {dimension_semantics = [#tpu.dimension_semantics<core_parallel>, #tpu.dimension_semantics<subcore_parallel>], iteration_bounds = array<i64: 2, 16>, scalar_prefetch = 0 : i64, scratch_operands = 2 : i64, tpu.core_type = #tpu.core_type<sc_vector_subcore>, window_params = [{transform_indices = #map}, {transform_indices = #map}]} {
    %mul3A = arith.constant 2 : i32
    %mul3A_0 = arith.muli %arg1, %mul3A : i32
    %add3A = arith.addi %mul3A_0, %arg0 : i32
    %mul3A_1 = arith.constant 4 : i32
    %mul3A_2 = arith.muli %add3A, %mul3A_1 : i32
    "tpu.region"() ({
      %run_scoped3A = tpu.sem_alloc : memref<!tpu.dma_semaphore, #tpu.memory_space<semaphore_mem>>
      %dma_start3A = arith.constant 0 : i32
      %dma_start3A_295 = tpu.memref_slice %arg2[%mul3A_2, %dma_start3A] : memref<128x16xf32, #tpu.memory_space<hbm>> -> memref<4x16xf32, #tpu.memory_space<hbm>>
      %dma_start3A_296 = arith.constant 0 : i32
      %dma_start3A_297 = tpu.memref_slice %arg2[%mul3A_2, %dma_start3A_296] : memref<128x16xf32, #tpu.memory_space<hbm>> -> memref<4x16xf32, #tpu.memory_space<hbm>>
      tpu.enqueue_dma source(%dma_start3A_297 : memref<4x16xf32, #tpu.memory_space<hbm>>) target(%arg4 : memref<4x16xf32, #tpu.memory_space<vmem>>) target_semaphore(%run_scoped3A : memref<!tpu.dma_semaphore, #tpu.memory_space<semaphore_mem>>)
      %dma_wait3A = arith.constant 0 : i32
      %dma_wait3A_298 = tpu.memref_slice %arg2[%mul3A_2, %dma_wait3A] : memref<128x16xf32, #tpu.memory_space<hbm>> -> memref<4x16xf32, #tpu.memory_space<hbm>>
      %dma_wait3A_299 = arith.constant 0 : i32
      %dma_wait3A_300 = tpu.memref_slice %arg2[%mul3A_2, %dma_wait3A_299] : memref<128x16xf32, #tpu.memory_space<hbm>> -> memref<4x16xf32, #tpu.memory_space<hbm>>
      tpu.wait_dma2 semaphore(%run_scoped3A : memref<!tpu.dma_semaphore, #tpu.memory_space<semaphore_mem>>) src(%dma_wait3A_300 : memref<4x16xf32, #tpu.memory_space<hbm>>) dst(%arg4 : memref<4x16xf32, #tpu.memory_space<vmem>>)
      tpu.yield
    }) : () -> ()
    %get3A = arith.constant 0 : i32
    %get3A_3 = arith.index_cast %get3A : i32 to index
    %get3A_4 = arith.constant 0 : index
    %get3A_5 = tpu.vector_load %arg4[%get3A_3, %get3A_4] {strides = array<i32>} : memref<4x16xf32, #tpu.memory_space<vmem>>, vector<16xf32>,
    %iota3A = tpu.iota {dimensions = array<i32: 0>} : vector<16xi32>
    %reduce_max3A = arith.constant true
    %reduce_max3A_6 = vector.broadcast %reduce_max3A : i1 to vector<16xi1>
    %reduce_max3A_7 = tpu.scan <max>, %get3A_5 masked %reduce_max3A_6 : vector<16xf32>, vector<16xi1> -> vector<16xf32>
    %reduce_max3A_8 = vector.extract %reduce_max3A_7[15] : f32 from vector<16xf32>
    %eq3A = vector.broadcast %reduce_max3A_8 : f32 to vector<16xf32>
    %eq3A_9 = arith.cmpf oeq, %get3A_5, %eq3A : vector<16xf32>
    %all_reduce_ffs3A = tpu.all_reduce %eq3A_9 {dim = 0 : i64, kind = #tpu.reduction_kind<find_first_set>} : vector<16xi1> -> vector<16xi32>
    %eq3A_10 = arith.cmpi eq, %iota3A, %all_reduce_ffs3A : vector<16xi32>
    %abs3A = math.absf %get3A_5 : vector<16xf32>
    %max3A = vector.broadcast %reduce_max3A_8 : f32 to vector<16xf32>
    %max3A_11 = arith.maximumf %abs3A, %max3A : vector<16xf32>
    %sub3A = vector.broadcast %reduce_max3A_8 : f32 to vector<16xf32>
    %sub3A_12 = arith.subf %sub3A, %get3A_5 : vector<16xf32>
    %div3A = arith.divf %sub3A_12, %max3A_11 : vector<16xf32>
    %gt3A = arith.constant 2.000000e-02 : f32
    %gt3A_13 = vector.broadcast %gt3A : f32 to vector<16xf32>
    %gt3A_14 = arith.cmpf ogt, %div3A, %gt3A_13 : vector<16xf32>
    %jit3A = arith.constant 0xFF800000 : f32
    %broadcast_in_dim3A = vector.broadcast %jit3A : f32 to vector<16xf32>
    %select_n3A = arith.select %gt3A_14, %broadcast_in_dim3A, %get3A_5 : vector<16xi1>, vector<16xf32>
    %sub3A_15 = vector.broadcast %reduce_max3A_8 : f32 to vector<16xf32>
    %sub3A_16 = arith.subf %select_n3A, %sub3A_15 : vector<16xf32>
    %exp3A = math.exp %sub3A_16 : vector<16xf32>
    %reduce_sum3A = arith.constant true
    %reduce_sum3A_17 = vector.broadcast %reduce_sum3A : i1 to vector<16xi1>
    %reduce_sum3A_18 = tpu.scan <sum>, %exp3A masked %reduce_sum3A_17 : vector<16xf32>, vector<16xi1> -> vector<16xf32>
    %reduce_sum3A_19 = vector.extract %reduce_sum3A_18[15] : f32 from vector<16xf32>
    %broadcast_in_dim3A_20 = vector.broadcast %reduce_sum3A_19 : f32 to vector<16xf32>
    %jit3A_21 = arith.constant 0.000000e+00 : f32
    %broadcast_in_dim3A_22 = vector.broadcast %jit3A_21 : f32 to vector<16xf32>
    %select_n3A_23 = arith.select %eq3A_10, %exp3A, %broadcast_in_dim3A_22 : vector<16xi1>, vector<16xf32>
    %div3A_24 = arith.divf %select_n3A_23, %broadcast_in_dim3A_20 : vector<16xf32>
    %jit3A_25 = arith.constant 0xFF800000 : f32
    %broadcast_in_dim3A_26 = vector.broadcast %jit3A_25 : f32 to vector<16xf32>
    %select_n3A_27 = arith.select %eq3A_10, %broadcast_in_dim3A_26, %get3A_5 : vector<16xi1>, vector<16xf32>
    %reduce_max3A_28 = arith.constant true
    %reduce_max3A_29 = vector.broadcast %reduce_max3A_28 : i1 to vector<16xi1>
    %reduce_max3A_30 = tpu.scan <max>, %select_n3A_27 masked %reduce_max3A_29 : vector<16xf32>, vector<16xi1> -> vector<16xf32>
    %reduce_max3A_31 = vector.extract %reduce_max3A_30[15] : f32 from vector<16xf32>
    %eq3A_32 = vector.broadcast %reduce_max3A_31 : f32 to vector<16xf32>
    %eq3A_33 = arith.cmpf oeq, %select_n3A_27, %eq3A_32 : vector<16xf32>
    %all_reduce_ffs3A_34 = tpu.all_reduce %eq3A_33 {dim = 0 : i64, kind = #tpu.reduction_kind<find_first_set>} : vector<16xi1> -> vector<16xi32>
    %eq3A_35 = arith.cmpi eq, %iota3A, %all_reduce_ffs3A_34 : vector<16xi32>
    %abs3A_36 = math.absf %get3A_5 : vector<16xf32>
    %max3A_37 = vector.broadcast %reduce_max3A_31 : f32 to vector<16xf32>
    %max3A_38 = arith.maximumf %abs3A_36, %max3A_37 : vector<16xf32>
    %sub3A_39 = vector.broadcast %reduce_max3A_31 : f32 to vector<16xf32>
    %sub3A_40 = arith.subf %sub3A_39, %select_n3A_27 : vector<16xf32>
    %div3A_41 = arith.divf %sub3A_40, %max3A_38 : vector<16xf32>
    %gt3A_42 = arith.constant 2.000000e-02 : f32
    %gt3A_43 = vector.broadcast %gt3A_42 : f32 to vector<16xf32>
    %gt3A_44 = arith.cmpf ogt, %div3A_41, %gt3A_43 : vector<16xf32>
    %jit3A_45 = arith.constant 0xFF800000 : f32
    %broadcast_in_dim3A_46 = vector.broadcast %jit3A_45 : f32 to vector<16xf32>
    %select_n3A_47 = arith.select %gt3A_44, %broadcast_in_dim3A_46, %select_n3A_27 : vector<16xi1>, vector<16xf32>
    %sub3A_48 = vector.broadcast %reduce_max3A_31 : f32 to vector<16xf32>
    %sub3A_49 = arith.subf %select_n3A_47, %sub3A_48 : vector<16xf32>
    %exp3A_50 = math.exp %sub3A_49 : vector<16xf32>
    %reduce_sum3A_51 = arith.constant true
    %reduce_sum3A_52 = vector.broadcast %reduce_sum3A_51 : i1 to vector<16xi1>
    %reduce_sum3A_53 = tpu.scan <sum>, %exp3A_50 masked %reduce_sum3A_52 : vector<16xf32>, vector<16xi1> -> vector<16xf32>
    %reduce_sum3A_54 = vector.extract %reduce_sum3A_53[15] : f32 from vector<16xf32>
    %broadcast_in_dim3A_55 = vector.broadcast %reduce_sum3A_54 : f32 to vector<16xf32>
    %jit3A_56 = arith.constant 0.000000e+00 : f32
    %broadcast_in_dim3A_57 = vector.broadcast %jit3A_56 : f32 to vector<16xf32>
    %select_n3A_58 = arith.select %eq3A_35, %exp3A_50, %broadcast_in_dim3A_57 : vector<16xi1>, vector<16xf32>
    %div3A_59 = arith.divf %select_n3A_58, %broadcast_in_dim3A_55 : vector<16xf32>
    %add3A_60 = arith.addf %div3A_24, %div3A_59 : vector<16xf32>
    %swap3A = arith.constant 0 : i32
    %swap3A_61 = arith.index_cast %swap3A : i32 to index
    %swap3A_62 = arith.constant 0 : index
    %swap3A_63 = tpu.vector_load %arg5[%swap3A_61, %swap3A_62] {strides = array<i32>} : memref<4x16xf32, #tpu.memory_space<vmem>>, vector<16xf32>,
    tpu.vector_store %arg5[%swap3A_61, %swap3A_62], %add3A_60 {strides = array<i32>} : memref<4x16xf32, #tpu.memory_space<vmem>>, vector<16xf32>,
    %get3A_64 = arith.constant 1 : i32
    %get3A_65 = arith.index_cast %get3A_64 : i32 to index
    %get3A_66 = arith.constant 0 : index
    %get3A_67 = tpu.vector_load %arg4[%get3A_65, %get3A_66] {strides = array<i32>} : memref<4x16xf32, #tpu.memory_space<vmem>>, vector<16xf32>,
    %iota3A_68 = tpu.iota {dimensions = array<i32: 0>} : vector<16xi32>
    %reduce_max3A_69 = arith.constant true
    %reduce_max3A_70 = vector.broadcast %reduce_max3A_69 : i1 to vector<16xi1>
    %reduce_max3A_71 = tpu.scan <max>, %get3A_67 masked %reduce_max3A_70 : vector<16xf32>, vector<16xi1> -> vector<16xf32>
    %reduce_max3A_72 = vector.extract %reduce_max3A_71[15] : f32 from vector<16xf32>
    %eq3A_73 = vector.broadcast %reduce_max3A_72 : f32 to vector<16xf32>
    %eq3A_74 = arith.cmpf oeq, %get3A_67, %eq3A_73 : vector<16xf32>
    %all_reduce_ffs3A_75 = tpu.all_reduce %eq3A_74 {dim = 0 : i64, kind = #tpu.reduction_kind<find_first_set>} : vector<16xi1> -> vector<16xi32>
    %eq3A_76 = arith.cmpi eq, %iota3A_68, %all_reduce_ffs3A_75 : vector<16xi32>
    %abs3A_77 = math.absf %get3A_67 : vector<16xf32>
    %max3A_78 = vector.broadcast %reduce_max3A_72 : f32 to vector<16xf32>
    %max3A_79 = arith.maximumf %abs3A_77, %max3A_78 : vector<16xf32>
    %sub3A_80 = vector.broadcast %reduce_max3A_72 : f32 to vector<16xf32>
    %sub3A_81 = arith.subf %sub3A_80, %get3A_67 : vector<16xf32>
    %div3A_82 = arith.divf %sub3A_81, %max3A_79 : vector<16xf32>
    %gt3A_83 = arith.constant 2.000000e-02 : f32
    %gt3A_84 = vector.broadcast %gt3A_83 : f32 to vector<16xf32>
    %gt3A_85 = arith.cmpf ogt, %div3A_82, %gt3A_84 : vector<16xf32>
    %jit3A_86 = arith.constant 0xFF800000 : f32
    %broadcast_in_dim3A_87 = vector.broadcast %jit3A_86 : f32 to vector<16xf32>
    %select_n3A_88 = arith.select %gt3A_85, %broadcast_in_dim3A_87, %get3A_67 : vector<16xi1>, vector<16xf32>
    %sub3A_89 = vector.broadcast %reduce_max3A_72 : f32 to vector<16xf32>
    %sub3A_90 = arith.subf %select_n3A_88, %sub3A_89 : vector<16xf32>
    %exp3A_91 = math.exp %sub3A_90 : vector<16xf32>
    %reduce_sum3A_92 = arith.constant true
    %reduce_sum3A_93 = vector.broadcast %reduce_sum3A_92 : i1 to vector<16xi1>
    %reduce_sum3A_94 = tpu.scan <sum>, %exp3A_91 masked %reduce_sum3A_93 : vector<16xf32>, vector<16xi1> -> vector<16xf32>
    %reduce_sum3A_95 = vector.extract %reduce_sum3A_94[15] : f32 from vector<16xf32>
    %broadcast_in_dim3A_96 = vector.broadcast %reduce_sum3A_95 : f32 to vector<16xf32>
    %jit3A_97 = arith.constant 0.000000e+00 : f32
    %broadcast_in_dim3A_98 = vector.broadcast %jit3A_97 : f32 to vector<16xf32>
    %select_n3A_99 = arith.select %eq3A_76, %exp3A_91, %broadcast_in_dim3A_98 : vector<16xi1>, vector<16xf32>
    %div3A_100 = arith.divf %select_n3A_99, %broadcast_in_dim3A_96 : vector<16xf32>
    %jit3A_101 = arith.constant 0xFF800000 : f32
    %broadcast_in_dim3A_102 = vector.broadcast %jit3A_101 : f32 to vector<16xf32>
    %select_n3A_103 = arith.select %eq3A_76, %broadcast_in_dim3A_102, %get3A_67 : vector<16xi1>, vector<16xf32>
    %reduce_max3A_104 = arith.constant true
    %reduce_max3A_105 = vector.broadcast %reduce_max3A_104 : i1 to vector<16xi1>
    %reduce_max3A_106 = tpu.scan <max>, %select_n3A_103 masked %reduce_max3A_105 : vector<16xf32>, vector<16xi1> -> vector<16xf32>
    %reduce_max3A_107 = vector.extract %reduce_max3A_106[15] : f32 from vector<16xf32>
    %eq3A_108 = vector.broadcast %reduce_max3A_107 : f32 to vector<16xf32>
    %eq3A_109 = arith.cmpf oeq, %select_n3A_103, %eq3A_108 : vector<16xf32>
    %all_reduce_ffs3A_110 = tpu.all_reduce %eq3A_109 {dim = 0 : i64, kind = #tpu.reduction_kind<find_first_set>} : vector<16xi1> -> vector<16xi32>
    %eq3A_111 = arith.cmpi eq, %iota3A_68, %all_reduce_ffs3A_110 : vector<16xi32>
    %abs3A_112 = math.absf %get3A_67 : vector<16xf32>
    %max3A_113 = vector.broadcast %reduce_max3A_107 : f32 to vector<16xf32>
    %max3A_114 = arith.maximumf %abs3A_112, %max3A_113 : vector<16xf32>
    %sub3A_115 = vector.broadcast %reduce_max3A_107 : f32 to vector<16xf32>
    %sub3A_116 = arith.subf %sub3A_115, %select_n3A_103 : vector<16xf32>
    %div3A_117 = arith.divf %sub3A_116, %max3A_114 : vector<16xf32>
    %gt3A_118 = arith.constant 2.000000e-02 : f32
    %gt3A_119 = vector.broadcast %gt3A_118 : f32 to vector<16xf32>
    %gt3A_120 = arith.cmpf ogt, %div3A_117, %gt3A_119 : vector<16xf32>
    %jit3A_121 = arith.constant 0xFF800000 : f32
    %broadcast_in_dim3A_122 = vector.broadcast %jit3A_121 : f32 to vector<16xf32>
    %select_n3A_123 = arith.select %gt3A_120, %broadcast_in_dim3A_122, %select_n3A_103 : vector<16xi1>, vector<16xf32>
    %sub3A_124 = vector.broadcast %reduce_max3A_107 : f32 to vector<16xf32>
    %sub3A_125 = arith.subf %select_n3A_123, %sub3A_124 : vector<16xf32>
    %exp3A_126 = math.exp %sub3A_125 : vector<16xf32>
    %reduce_sum3A_127 = arith.constant true
    %reduce_sum3A_128 = vector.broadcast %reduce_sum3A_127 : i1 to vector<16xi1>
    %reduce_sum3A_129 = tpu.scan <sum>, %exp3A_126 masked %reduce_sum3A_128 : vector<16xf32>, vector<16xi1> -> vector<16xf32>
    %reduce_sum3A_130 = vector.extract %reduce_sum3A_129[15] : f32 from vector<16xf32>
    %broadcast_in_dim3A_131 = vector.broadcast %reduce_sum3A_130 : f32 to vector<16xf32>
    %jit3A_132 = arith.constant 0.000000e+00 : f32
    %broadcast_in_dim3A_133 = vector.broadcast %jit3A_132 : f32 to vector<16xf32>
    %select_n3A_134 = arith.select %eq3A_111, %exp3A_126, %broadcast_in_dim3A_133 : vector<16xi1>, vector<16xf32>
    %div3A_135 = arith.divf %select_n3A_134, %broadcast_in_dim3A_131 : vector<16xf32>
    %add3A_136 = arith.addf %div3A_100, %div3A_135 : vector<16xf32>
    %swap3A_137 = arith.constant 1 : i32
    %swap3A_138 = arith.index_cast %swap3A_137 : i32 to index
    %swap3A_139 = arith.constant 0 : index
    %swap3A_140 = tpu.vector_load %arg5[%swap3A_138, %swap3A_139] {strides = array<i32>} : memref<4x16xf32, #tpu.memory_space<vmem>>, vector<16xf32>,
    tpu.vector_store %arg5[%swap3A_138, %swap3A_139], %add3A_136 {strides = array<i32>} : memref<4x16xf32, #tpu.memory_space<vmem>>, vector<16xf32>,
    %get3A_141 = arith.constant 2 : i32
    %get3A_142 = arith.index_cast %get3A_141 : i32 to index
    %get3A_143 = arith.constant 0 : index
    %get3A_144 = tpu.vector_load %arg4[%get3A_142, %get3A_143] {strides = array<i32>} : memref<4x16xf32, #tpu.memory_space<vmem>>, vector<16xf32>,
    %iota3A_145 = tpu.iota {dimensions = array<i32: 0>} : vector<16xi32>
    %reduce_max3A_146 = arith.constant true
    %reduce_max3A_147 = vector.broadcast %reduce_max3A_146 : i1 to vector<16xi1>
    %reduce_max3A_148 = tpu.scan <max>, %get3A_144 masked %reduce_max3A_147 : vector<16xf32>, vector<16xi1> -> vector<16xf32>
    %reduce_max3A_149 = vector.extract %reduce_max3A_148[15] : f32 from vector<16xf32>
    %eq3A_150 = vector.broadcast %reduce_max3A_149 : f32 to vector<16xf32>
    %eq3A_151 = arith.cmpf oeq, %get3A_144, %eq3A_150 : vector<16xf32>
    %all_reduce_ffs3A_152 = tpu.all_reduce %eq3A_151 {dim = 0 : i64, kind = #tpu.reduction_kind<find_first_set>} : vector<16xi1> -> vector<16xi32>
    %eq3A_153 = arith.cmpi eq, %iota3A_145, %all_reduce_ffs3A_152 : vector<16xi32>
    %abs3A_154 = math.absf %get3A_144 : vector<16xf32>
    %max3A_155 = vector.broadcast %reduce_max3A_149 : f32 to vector<16xf32>
    %max3A_156 = arith.maximumf %abs3A_154, %max3A_155 : vector<16xf32>
    %sub3A_157 = vector.broadcast %reduce_max3A_149 : f32 to vector<16xf32>
    %sub3A_158 = arith.subf %sub3A_157, %get3A_144 : vector<16xf32>
    %div3A_159 = arith.divf %sub3A_158, %max3A_156 : vector<16xf32>
    %gt3A_160 = arith.constant 2.000000e-02 : f32
    %gt3A_161 = vector.broadcast %gt3A_160 : f32 to vector<16xf32>
    %gt3A_162 = arith.cmpf ogt, %div3A_159, %gt3A_161 : vector<16xf32>
    %jit3A_163 = arith.constant 0xFF800000 : f32
    %broadcast_in_dim3A_164 = vector.broadcast %jit3A_163 : f32 to vector<16xf32>
    %select_n3A_165 = arith.select %gt3A_162, %broadcast_in_dim3A_164, %get3A_144 : vector<16xi1>, vector<16xf32>
    %sub3A_166 = vector.broadcast %reduce_max3A_149 : f32 to vector<16xf32>
    %sub3A_167 = arith.subf %select_n3A_165, %sub3A_166 : vector<16xf32>
    %exp3A_168 = math.exp %sub3A_167 : vector<16xf32>
    %reduce_sum3A_169 = arith.constant true
    %reduce_sum3A_170 = vector.broadcast %reduce_sum3A_169 : i1 to vector<16xi1>
    %reduce_sum3A_171 = tpu.scan <sum>, %exp3A_168 masked %reduce_sum3A_170 : vector<16xf32>, vector<16xi1> -> vector<16xf32>
    %reduce_sum3A_172 = vector.extract %reduce_sum3A_171[15] : f32 from vector<16xf32>
    %broadcast_in_dim3A_173 = vector.broadcast %reduce_sum3A_172 : f32 to vector<16xf32>
    %jit3A_174 = arith.constant 0.000000e+00 : f32
    %broadcast_in_dim3A_175 = vector.broadcast %jit3A_174 : f32 to vector<16xf32>
    %select_n3A_176 = arith.select %eq3A_153, %exp3A_168, %broadcast_in_dim3A_175 : vector<16xi1>, vector<16xf32>
    %div3A_177 = arith.divf %select_n3A_176, %broadcast_in_dim3A_173 : vector<16xf32>
    %jit3A_178 = arith.constant 0xFF800000 : f32
    %broadcast_in_dim3A_179 = vector.broadcast %jit3A_178 : f32 to vector<16xf32>
    %select_n3A_180 = arith.select %eq3A_153, %broadcast_in_dim3A_179, %get3A_144 : vector<16xi1>, vector<16xf32>
    %reduce_max3A_181 = arith.constant true
    %reduce_max3A_182 = vector.broadcast %reduce_max3A_181 : i1 to vector<16xi1>
    %reduce_max3A_183 = tpu.scan <max>, %select_n3A_180 masked %reduce_max3A_182 : vector<16xf32>, vector<16xi1> -> vector<16xf32>
    %reduce_max3A_184 = vector.extract %reduce_max3A_183[15] : f32 from vector<16xf32>
    %eq3A_185 = vector.broadcast %reduce_max3A_184 : f32 to vector<16xf32>
    %eq3A_186 = arith.cmpf oeq, %select_n3A_180, %eq3A_185 : vector<16xf32>
    %all_reduce_ffs3A_187 = tpu.all_reduce %eq3A_186 {dim = 0 : i64, kind = #tpu.reduction_kind<find_first_set>} : vector<16xi1> -> vector<16xi32>
    %eq3A_188 = arith.cmpi eq, %iota3A_145, %all_reduce_ffs3A_187 : vector<16xi32>
    %abs3A_189 = math.absf %get3A_144 : vector<16xf32>
    %max3A_190 = vector.broadcast %reduce_max3A_184 : f32 to vector<16xf32>
    %max3A_191 = arith.maximumf %abs3A_189, %max3A_190 : vector<16xf32>
    %sub3A_192 = vector.broadcast %reduce_max3A_184 : f32 to vector<16xf32>
    %sub3A_193 = arith.subf %sub3A_192, %select_n3A_180 : vector<16xf32>
    %div3A_194 = arith.divf %sub3A_193, %max3A_191 : vector<16xf32>
    %gt3A_195 = arith.constant 2.000000e-02 : f32
    %gt3A_196 = vector.broadcast %gt3A_195 : f32 to vector<16xf32>
    %gt3A_197 = arith.cmpf ogt, %div3A_194, %gt3A_196 : vector<16xf32>
    %jit3A_198 = arith.constant 0xFF800000 : f32
    %broadcast_in_dim3A_199 = vector.broadcast %jit3A_198 : f32 to vector<16xf32>
    %select_n3A_200 = arith.select %gt3A_197, %broadcast_in_dim3A_199, %select_n3A_180 : vector<16xi1>, vector<16xf32>
    %sub3A_201 = vector.broadcast %reduce_max3A_184 : f32 to vector<16xf32>
    %sub3A_202 = arith.subf %select_n3A_200, %sub3A_201 : vector<16xf32>
    %exp3A_203 = math.exp %sub3A_202 : vector<16xf32>
    %reduce_sum3A_204 = arith.constant true
    %reduce_sum3A_205 = vector.broadcast %reduce_sum3A_204 : i1 to vector<16xi1>
    %reduce_sum3A_206 = tpu.scan <sum>, %exp3A_203 masked %reduce_sum3A_205 : vector<16xf32>, vector<16xi1> -> vector<16xf32>
    %reduce_sum3A_207 = vector.extract %reduce_sum3A_206[15] : f32 from vector<16xf32>
    %broadcast_in_dim3A_208 = vector.broadcast %reduce_sum3A_207 : f32 to vector<16xf32>
    %jit3A_209 = arith.constant 0.000000e+00 : f32
    %broadcast_in_dim3A_210 = vector.broadcast %jit3A_209 : f32 to vector<16xf32>
    %select_n3A_211 = arith.select %eq3A_188, %exp3A_203, %broadcast_in_dim3A_210 : vector<16xi1>, vector<16xf32>
    %div3A_212 = arith.divf %select_n3A_211, %broadcast_in_dim3A_208 : vector<16xf32>
    %add3A_213 = arith.addf %div3A_177, %div3A_212 : vector<16xf32>
    %swap3A_214 = arith.constant 2 : i32
    %swap3A_215 = arith.index_cast %swap3A_214 : i32 to index
    %swap3A_216 = arith.constant 0 : index
    %swap3A_217 = tpu.vector_load %arg5[%swap3A_215, %swap3A_216] {strides = array<i32>} : memref<4x16xf32, #tpu.memory_space<vmem>>, vector<16xf32>,
    tpu.vector_store %arg5[%swap3A_215, %swap3A_216], %add3A_213 {strides = array<i32>} : memref<4x16xf32, #tpu.memory_space<vmem>>, vector<16xf32>,
    %get3A_218 = arith.constant 3 : i32
    %get3A_219 = arith.index_cast %get3A_218 : i32 to index
    %get3A_220 = arith.constant 0 : index
    %get3A_221 = tpu.vector_load %arg4[%get3A_219, %get3A_220] {strides = array<i32>} : memref<4x16xf32, #tpu.memory_space<vmem>>, vector<16xf32>,
    %iota3A_222 = tpu.iota {dimensions = array<i32: 0>} : vector<16xi32>
    %reduce_max3A_223 = arith.constant true
    %reduce_max3A_224 = vector.broadcast %reduce_max3A_223 : i1 to vector<16xi1>
    %reduce_max3A_225 = tpu.scan <max>, %get3A_221 masked %reduce_max3A_224 : vector<16xf32>, vector<16xi1> -> vector<16xf32>
    %reduce_max3A_226 = vector.extract %reduce_max3A_225[15] : f32 from vector<16xf32>
    %eq3A_227 = vector.broadcast %reduce_max3A_226 : f32 to vector<16xf32>
    %eq3A_228 = arith.cmpf oeq, %get3A_221, %eq3A_227 : vector<16xf32>
    %all_reduce_ffs3A_229 = tpu.all_reduce %eq3A_228 {dim = 0 : i64, kind = #tpu.reduction_kind<find_first_set>} : vector<16xi1> -> vector<16xi32>
    %eq3A_230 = arith.cmpi eq, %iota3A_222, %all_reduce_ffs3A_229 : vector<16xi32>
    %abs3A_231 = math.absf %get3A_221 : vector<16xf32>
    %max3A_232 = vector.broadcast %reduce_max3A_226 : f32 to vector<16xf32>
    %max3A_233 = arith.maximumf %abs3A_231, %max3A_232 : vector<16xf32>
    %sub3A_234 = vector.broadcast %reduce_max3A_226 : f32 to vector<16xf32>
    %sub3A_235 = arith.subf %sub3A_234, %get3A_221 : vector<16xf32>
    %div3A_236 = arith.divf %sub3A_235, %max3A_233 : vector<16xf32>
    %gt3A_237 = arith.constant 2.000000e-02 : f32
    %gt3A_238 = vector.broadcast %gt3A_237 : f32 to vector<16xf32>
    %gt3A_239 = arith.cmpf ogt, %div3A_236, %gt3A_238 : vector<16xf32>
    %jit3A_240 = arith.constant 0xFF800000 : f32
    %broadcast_in_dim3A_241 = vector.broadcast %jit3A_240 : f32 to vector<16xf32>
    %select_n3A_242 = arith.select %gt3A_239, %broadcast_in_dim3A_241, %get3A_221 : vector<16xi1>, vector<16xf32>
    %sub3A_243 = vector.broadcast %reduce_max3A_226 : f32 to vector<16xf32>
    %sub3A_244 = arith.subf %select_n3A_242, %sub3A_243 : vector<16xf32>
    %exp3A_245 = math.exp %sub3A_244 : vector<16xf32>
    %reduce_sum3A_246 = arith.constant true
    %reduce_sum3A_247 = vector.broadcast %reduce_sum3A_246 : i1 to vector<16xi1>
    %reduce_sum3A_248 = tpu.scan <sum>, %exp3A_245 masked %reduce_sum3A_247 : vector<16xf32>, vector<16xi1> -> vector<16xf32>
    %reduce_sum3A_249 = vector.extract %reduce_sum3A_248[15] : f32 from vector<16xf32>
    %broadcast_in_dim3A_250 = vector.broadcast %reduce_sum3A_249 : f32 to vector<16xf32>
    %jit3A_251 = arith.constant 0.000000e+00 : f32
    %broadcast_in_dim3A_252 = vector.broadcast %jit3A_251 : f32 to vector<16xf32>
    %select_n3A_253 = arith.select %eq3A_230, %exp3A_245, %broadcast_in_dim3A_252 : vector<16xi1>, vector<16xf32>
    %div3A_254 = arith.divf %select_n3A_253, %broadcast_in_dim3A_250 : vector<16xf32>
    %jit3A_255 = arith.constant 0xFF800000 : f32
    %broadcast_in_dim3A_256 = vector.broadcast %jit3A_255 : f32 to vector<16xf32>
    %select_n3A_257 = arith.select %eq3A_230, %broadcast_in_dim3A_256, %get3A_221 : vector<16xi1>, vector<16xf32>
    %reduce_max3A_258 = arith.constant true
    %reduce_max3A_259 = vector.broadcast %reduce_max3A_258 : i1 to vector<16xi1>
    %reduce_max3A_260 = tpu.scan <max>, %select_n3A_257 masked %reduce_max3A_259 : vector<16xf32>, vector<16xi1> -> vector<16xf32>
    %reduce_max3A_261 = vector.extract %reduce_max3A_260[15] : f32 from vector<16xf32>
    %eq3A_262 = vector.broadcast %reduce_max3A_261 : f32 to vector<16xf32>
    %eq3A_263 = arith.cmpf oeq, %select_n3A_257, %eq3A_262 : vector<16xf32>
    %all_reduce_ffs3A_264 = tpu.all_reduce %eq3A_263 {dim = 0 : i64, kind = #tpu.reduction_kind<find_first_set>} : vector<16xi1> -> vector<16xi32>
    %eq3A_265 = arith.cmpi eq, %iota3A_222, %all_reduce_ffs3A_264 : vector<16xi32>
    %abs3A_266 = math.absf %get3A_221 : vector<16xf32>
    %max3A_267 = vector.broadcast %reduce_max3A_261 : f32 to vector<16xf32>
    %max3A_268 = arith.maximumf %abs3A_266, %max3A_267 : vector<16xf32>
    %sub3A_269 = vector.broadcast %reduce_max3A_261 : f32 to vector<16xf32>
    %sub3A_270 = arith.subf %sub3A_269, %select_n3A_257 : vector<16xf32>
    %div3A_271 = arith.divf %sub3A_270, %max3A_268 : vector<16xf32>
    %gt3A_272 = arith.constant 2.000000e-02 : f32
    %gt3A_273 = vector.broadcast %gt3A_272 : f32 to vector<16xf32>
    %gt3A_274 = arith.cmpf ogt, %div3A_271, %gt3A_273 : vector<16xf32>
    %jit3A_275 = arith.constant 0xFF800000 : f32
    %broadcast_in_dim3A_276 = vector.broadcast %jit3A_275 : f32 to vector<16xf32>
    %select_n3A_277 = arith.select %gt3A_274, %broadcast_in_dim3A_276, %select_n3A_257 : vector<16xi1>, vector<16xf32>
    %sub3A_278 = vector.broadcast %reduce_max3A_261 : f32 to vector<16xf32>
    %sub3A_279 = arith.subf %select_n3A_277, %sub3A_278 : vector<16xf32>
    %exp3A_280 = math.exp %sub3A_279 : vector<16xf32>
    %reduce_sum3A_281 = arith.constant true
    %reduce_sum3A_282 = vector.broadcast %reduce_sum3A_281 : i1 to vector<16xi1>
    %reduce_sum3A_283 = tpu.scan <sum>, %exp3A_280 masked %reduce_sum3A_282 : vector<16xf32>, vector<16xi1> -> vector<16xf32>
    %reduce_sum3A_284 = vector.extract %reduce_sum3A_283[15] : f32 from vector<16xf32>
    %broadcast_in_dim3A_285 = vector.broadcast %reduce_sum3A_284 : f32 to vector<16xf32>
    %jit3A_286 = arith.constant 0.000000e+00 : f32
    %broadcast_in_dim3A_287 = vector.broadcast %jit3A_286 : f32 to vector<16xf32>
    %select_n3A_288 = arith.select %eq3A_265, %exp3A_280, %broadcast_in_dim3A_287 : vector<16xi1>, vector<16xf32>
    %div3A_289 = arith.divf %select_n3A_288, %broadcast_in_dim3A_285 : vector<16xf32>
    %add3A_290 = arith.addf %div3A_254, %div3A_289 : vector<16xf32>
    %swap3A_291 = arith.constant 3 : i32
    %swap3A_292 = arith.index_cast %swap3A_291 : i32 to index
    %swap3A_293 = arith.constant 0 : index
    %swap3A_294 = tpu.vector_load %arg5[%swap3A_292, %swap3A_293] {strides = array<i32>} : memref<4x16xf32, #tpu.memory_space<vmem>>, vector<16xf32>,
    tpu.vector_store %arg5[%swap3A_292, %swap3A_293], %add3A_290 {strides = array<i32>} : memref<4x16xf32, #tpu.memory_space<vmem>>, vector<16xf32>,
    "tpu.region"() ({
      %run_scoped3A = tpu.sem_alloc : memref<!tpu.dma_semaphore, #tpu.memory_space<semaphore_mem>>
      %dma_start3A = arith.constant 0 : i32
      %dma_start3A_295 = tpu.memref_slice %arg3[%mul3A_2, %dma_start3A] : memref<128x16xf32, #tpu.memory_space<hbm>> -> memref<4x16xf32, #tpu.memory_space<hbm>>
      %dma_start3A_296 = arith.constant 0 : i32
      %dma_start3A_297 = tpu.memref_slice %arg3[%mul3A_2, %dma_start3A_296] : memref<128x16xf32, #tpu.memory_space<hbm>> -> memref<4x16xf32, #tpu.memory_space<hbm>>
      tpu.enqueue_dma source(%arg5 : memref<4x16xf32, #tpu.memory_space<vmem>>) target(%dma_start3A_297 : memref<4x16xf32, #tpu.memory_space<hbm>>) target_semaphore(%run_scoped3A : memref<!tpu.dma_semaphore, #tpu.memory_space<semaphore_mem>>)
      %dma_wait3A = arith.constant 0 : i32
      %dma_wait3A_298 = tpu.memref_slice %arg3[%mul3A_2, %dma_wait3A] : memref<128x16xf32, #tpu.memory_space<hbm>> -> memref<4x16xf32, #tpu.memory_space<hbm>>
      %dma_wait3A_299 = arith.constant 0 : i32
      %dma_wait3A_300 = tpu.memref_slice %arg3[%mul3A_2, %dma_wait3A_299] : memref<128x16xf32, #tpu.memory_space<hbm>> -> memref<4x16xf32, #tpu.memory_space<hbm>>
      tpu.wait_dma2 semaphore(%run_scoped3A : memref<!tpu.dma_semaphore, #tpu.memory_space<semaphore_mem>>) src(%arg5 : memref<4x16xf32, #tpu.memory_space<vmem>>) dst(%dma_wait3A_300 : memref<4x16xf32, #tpu.memory_space<hbm>>)
      tpu.yield
    }) : () -> ()
    return
  }
}

module attributes {stable_mosaic.version = 14 : i64} {
  func.func @_logits_body(%arg0: memref<128x1024xf32, #tpu.memory_space<vmem>>, %arg1: memref<16x1024xf32, #tpu.memory_space<vmem>>, %arg2: memref<128x16xf32, #tpu.memory_space<vmem>>) attributes {dimension_semantics = [], scalar_prefetch = 0 : i64, scratch_operands = 0 : i64, tpu.core_type = #tpu.core_type<tc>} {
    %get3A = arith.constant 0 : index
    %get3A_0 = arith.constant 0 : index
    %get3A_1 = vector.load %arg0[%get3A, %get3A_0] : memref<128x1024xf32, #tpu.memory_space<vmem>>, vector<128x1024xf32>
    %convert_element_type3A = arith.truncf %get3A_1 : vector<128x1024xf32> to vector<128x1024xbf16>
    %get3A_2 = arith.constant 0 : index
    %get3A_3 = arith.constant 0 : index
    %get3A_4 = vector.load %arg1[%get3A_2, %get3A_3] : memref<16x1024xf32, #tpu.memory_space<vmem>>, vector<16x1024xf32>
    %convert_element_type3A_5 = arith.truncf %get3A_4 : vector<16x1024xf32> to vector<16x1024xbf16>
    %dot_general3A = arith.constant dense<0.000000e+00> : vector<128x16xf32>
    %dot_general3A_6 = tpu.matmul %convert_element_type3A, %convert_element_type3A_5, %dot_general3A {dimension_numbers = #tpu.dot_dimension_numbers<[1], [1], [0], [0], [0, 0, 1, 0], [], []>, transpose_lhs_hint = false} : vector<128x1024xbf16>, vector<16x1024xbf16>, vector<128x16xf32> -> vector<128x16xf32>
    %swap3A = arith.constant 0 : index
    %swap3A_7 = arith.constant 0 : index
    %swap3A_8 = vector.load %arg2[%swap3A, %swap3A_7] : memref<128x16xf32, #tpu.memory_space<vmem>>, vector<128x16xf32>
    tpu.vector_store %arg2[%swap3A, %swap3A_7], %dot_general3A_6 {strides = array<i32>} : memref<128x16xf32, #tpu.memory_space<vmem>>, vector<128x16xf32>,
    return
  }
}

module attributes {stable_mosaic.version = 14 : i64} {
  func.func @_moe_body(%arg0: i32, %arg1: i32, %arg2: memref<128x1024xf32, #tpu.memory_space<vmem>>, %arg3: memref<128x16xf32, #tpu.memory_space<vmem>>, %arg4: memref<1x1024x1024xf32, #tpu.memory_space<vmem>>, %arg5: memref<1x1024x1024xf32, #tpu.memory_space<vmem>>, %arg6: memref<1x1024x1024xf32, #tpu.memory_space<vmem>>, %arg7: memref<128x1024xf32, #tpu.memory_space<vmem>>) attributes {dimension_semantics = [#tpu.dimension_semantics<arbitrary>, #tpu.dimension_semantics<arbitrary>], iteration_bounds = array<i64: 16, 2>, scalar_prefetch = 0 : i64, scratch_operands = 0 : i64, tpu.core_type = #tpu.core_type<tc>, window_params = [{pipeline_mode = #tpu.pipeline_mode<synchronous>, transform_indices = @transform_0, window_bounds = array<i64: 128, 1024>}, {pipeline_mode = #tpu.pipeline_mode<synchronous>, transform_indices = @transform_1, window_bounds = array<i64: 128, 16>}, {transform_indices = @transform_2, window_bounds = array<i64: 1, 1024, 1024>}, {transform_indices = @transform_3, window_bounds = array<i64: 1, 1024, 1024>}, {transform_indices = @transform_4, window_bounds = array<i64: 1, 1024, 1024>}, {pipeline_mode = #tpu.pipeline_mode<synchronous>, transform_indices = @transform_5, window_bounds = array<i64: 128, 1024>}]} {
    %eq3A = arith.constant 0 : i32
    %eq3A_0 = arith.cmpi eq, %arg0, %eq3A : i32
    %eq3A_1 = arith.constant 0 : i32
    %eq3A_2 = arith.cmpi eq, %arg1, %eq3A_1 : i32
    %and3A = arith.andi %eq3A_0, %eq3A_2 : i1
    %get3A = arith.constant 0 : index
    %get3A_3 = arith.constant 0 : index
    %get3A_4 = vector.load %arg2[%get3A, %get3A_3] : memref<128x1024xf32, #tpu.memory_space<vmem>>, vector<128x1024xf32>
    %convert_element_type3A = arith.truncf %get3A_4 : vector<128x1024xf32> to vector<128x1024xbf16>
    %get3A_5 = arith.constant 0 : index
    %get3A_6 = arith.constant 0 : index
    %get3A_7 = arith.constant 0 : index
    %get3A_8 = vector.load %arg4[%get3A_5, %get3A_6, %get3A_7] : memref<1x1024x1024xf32, #tpu.memory_space<vmem>>, vector<1x1024x1024xf32>
    %get3A_9 = vector.shape_cast %get3A_8 : vector<1x1024x1024xf32> to vector<1024x1024xf32>
    %convert_element_type3A_10 = arith.truncf %get3A_9 : vector<1024x1024xf32> to vector<1024x1024xbf16>
    %get3A_11 = arith.constant 0 : index
    %get3A_12 = arith.constant 0 : index
    %get3A_13 = arith.constant 0 : index
    %get3A_14 = vector.load %arg5[%get3A_11, %get3A_12, %get3A_13] : memref<1x1024x1024xf32, #tpu.memory_space<vmem>>, vector<1x1024x1024xf32>
    %get3A_15 = vector.shape_cast %get3A_14 : vector<1x1024x1024xf32> to vector<1024x1024xf32>
    %convert_element_type3A_16 = arith.truncf %get3A_15 : vector<1024x1024xf32> to vector<1024x1024xbf16>
    %dot_general3A = arith.constant dense<0.000000e+00> : vector<128x1024xf32>
    %dot_general3A_17 = tpu.matmul %convert_element_type3A, %convert_element_type3A_10, %dot_general3A {dimension_numbers = #tpu.dot_dimension_numbers<[1], [1], [0], [0], [0, 0, 1, 0], [], []>, transpose_lhs_hint = false} : vector<128x1024xbf16>, vector<1024x1024xbf16>, vector<128x1024xf32> -> vector<128x1024xf32>
    %dot_general3A_18 = arith.constant dense<0.000000e+00> : vector<128x1024xf32>
    %dot_general3A_19 = tpu.matmul %convert_element_type3A, %convert_element_type3A_16, %dot_general3A_18 {dimension_numbers = #tpu.dot_dimension_numbers<[1], [1], [0], [0], [0, 0, 1, 0], [], []>, transpose_lhs_hint = false} : vector<128x1024xbf16>, vector<1024x1024xbf16>, vector<128x1024xf32> -> vector<128x1024xf32>
    %logistic3A = arith.negf %dot_general3A_17 : vector<128x1024xf32>
    %logistic3A_20 = math.exp %logistic3A : vector<128x1024xf32>
    %logistic3A_21 = arith.constant 1.000000e+00 : f32
    %logistic3A_22 = vector.broadcast %logistic3A_21 : f32 to vector<128x1024xf32>
    %logistic3A_23 = arith.addf %logistic3A_22, %logistic3A_20 : vector<128x1024xf32>
    %logistic3A_24 = arith.divf %logistic3A_22, %logistic3A_23 : vector<128x1024xf32>
    %mul3A = arith.mulf %dot_general3A_17, %logistic3A_24 : vector<128x1024xf32>
    %mul3A_25 = arith.mulf %mul3A, %dot_general3A_19 : vector<128x1024xf32>
    %get3A_26 = arith.constant 0 : index
    %get3A_27 = arith.constant 0 : index
    %get3A_28 = arith.constant 0 : index
    %get3A_29 = vector.load %arg6[%get3A_26, %get3A_27, %get3A_28] : memref<1x1024x1024xf32, #tpu.memory_space<vmem>>, vector<1x1024x1024xf32>
    %get3A_30 = vector.shape_cast %get3A_29 : vector<1x1024x1024xf32> to vector<1024x1024xf32>
    %convert_element_type3A_31 = arith.truncf %get3A_30 : vector<1024x1024xf32> to vector<1024x1024xbf16>
    %convert_element_type3A_32 = arith.truncf %mul3A_25 : vector<128x1024xf32> to vector<128x1024xbf16>
    %dot_general3A_33 = arith.constant dense<0.000000e+00> : vector<128x1024xf32>
    %dot_general3A_34 = tpu.matmul %convert_element_type3A_32, %convert_element_type3A_31, %dot_general3A_33 {dimension_numbers = #tpu.dot_dimension_numbers<[1], [1], [0], [0], [0, 0, 1, 0], [], []>, transpose_lhs_hint = false} : vector<128x1024xbf16>, vector<1024x1024xbf16>, vector<128x1024xf32> -> vector<128x1024xf32>
    %iota3A = tpu.iota {dimensions = array<i32: 1>} : vector<128x16xi32>
    %eq3A_35 = vector.broadcast %arg0 : i32 to vector<128x16xi32>
    %eq3A_36 = arith.cmpi eq, %iota3A, %eq3A_35 : vector<128x16xi32>
    %get3A_37 = arith.constant 0 : index
    %get3A_38 = arith.constant 0 : index
    %get3A_39 = vector.load %arg3[%get3A_37, %get3A_38] : memref<128x16xf32, #tpu.memory_space<vmem>>, vector<128x16xf32>
    %jit3A = arith.constant 0.000000e+00 : f32
    %broadcast_in_dim3A = vector.broadcast %jit3A : f32 to vector<128x16xf32>
    %select_n3A = arith.select %eq3A_36, %get3A_39, %broadcast_in_dim3A : vector<128x16xi1>, vector<128x16xf32>
    %reduce_sum3A = arith.constant dense<0.000000e+00> : vector<128xf32>
    %reduce_sum3A_40 = vector.multi_reduction <add>, %select_n3A, %reduce_sum3A [1] : vector<128x16xf32> to vector<128xf32>
    %broadcast_in_dim3A_41 = vector.shape_cast %reduce_sum3A_40 : vector<128xf32> to vector<128x1xf32>
    %mul3A_42 = vector.broadcast %broadcast_in_dim3A_41 : vector<128x1xf32> to vector<128x1024xf32>
    %mul3A_43 = arith.mulf %dot_general3A_34, %mul3A_42 : vector<128x1024xf32>
    %convert_element_type3A_44 = arith.extui %and3A : i1 to i32
    %cond3A = arith.constant 0 : i32
    %cond3A_45 = arith.cmpi ne, %convert_element_type3A_44, %cond3A : i32
    scf.if %cond3A_45 {
      %swap3A = arith.constant 0 : index
      %swap3A_50 = arith.constant 0 : index
      %swap3A_51 = vector.load %arg7[%swap3A, %swap3A_50] : memref<128x1024xf32, #tpu.memory_space<vmem>>, vector<128x1024xf32>
      tpu.vector_store %arg7[%swap3A, %swap3A_50], %mul3A_43 {strides = array<i32>} : memref<128x1024xf32, #tpu.memory_space<vmem>>, vector<128x1024xf32>,
    } else {
    }
    %not3A = arith.constant true
    %not3A_46 = arith.xori %and3A, %not3A : i1
    %convert_element_type3A_47 = arith.extui %not3A_46 : i1 to i32
    %cond3A_48 = arith.constant 0 : i32
    %cond3A_49 = arith.cmpi ne, %convert_element_type3A_47, %cond3A_48 : i32
    scf.if %cond3A_49 {
      %get3A_50 = arith.constant 0 : index
      %get3A_51 = arith.constant 0 : index
      %get3A_52 = vector.load %arg7[%get3A_50, %get3A_51] : memref<128x1024xf32, #tpu.memory_space<vmem>>, vector<128x1024xf32>
      %add3A = arith.addf %get3A_52, %mul3A_43 : vector<128x1024xf32>
      %swap3A = arith.constant 0 : index
      %swap3A_53 = arith.constant 0 : index
      %swap3A_54 = vector.load %arg7[%swap3A, %swap3A_53] : memref<128x1024xf32, #tpu.memory_space<vmem>>, vector<128x1024xf32>
      tpu.vector_store %arg7[%swap3A, %swap3A_53], %add3A {strides = array<i32>} : memref<128x1024xf32, #tpu.memory_space<vmem>>, vector<128x1024xf32>,
    } else {
    }
    return
  }
  func.func @transform_0(%arg0: i32, %arg1: i32) -> (i32, i32) {
    %c0_i32 = arith.constant 0 : i32
    %c0_i32_0 = arith.constant 0 : i32
    %c0_i32_1 = arith.constant 0 : i32
    return %c0_i32, %c0_i32_0 : i32, i32
  }
  func.func @transform_1(%arg0: i32, %arg1: i32) -> (i32, i32) {
    %c0_i32 = arith.constant 0 : i32
    %c0_i32_0 = arith.constant 0 : i32
    %c0_i32_1 = arith.constant 0 : i32
    return %c0_i32, %c0_i32_0 : i32, i32
  }
  func.func @transform_2(%arg0: i32, %arg1: i32) -> (i32, i32, i32) {
    %c0_i32 = arith.constant 0 : i32
    %c0_i32_0 = arith.constant 0 : i32
    return %arg0, %arg1, %c0_i32 : i32, i32, i32
  }
  func.func @transform_3(%arg0: i32, %arg1: i32) -> (i32, i32, i32) {
    %c0_i32 = arith.constant 0 : i32
    %c0_i32_0 = arith.constant 0 : i32
    return %arg0, %arg1, %c0_i32 : i32, i32, i32
  }
  func.func @transform_4(%arg0: i32, %arg1: i32) -> (i32, i32, i32) {
    %c0_i32 = arith.constant 0 : i32
    %c0_i32_0 = arith.constant 0 : i32
    return %arg0, %c0_i32, %arg1 : i32, i32, i32
  }
  func.func @transform_5(%arg0: i32, %arg1: i32) -> (i32, i32) {
    %c0_i32 = arith.constant 0 : i32
    %c0_i32_0 = arith.constant 0 : i32
    %c0_i32_1 = arith.constant 0 : i32
    return %c0_i32, %c0_i32_0 : i32, i32
  }
}

</mosaic_0001>

<sc_bundles>
// kernel: kernel.5.cloned.1.call-start
scs
__scs_entry_jumppad:
0x0: {  	(pc) =	sbr.rel $0x88, $3  }
0x1: {  	(tag) =	ssettag $0x0;
	lr =	simm.s32 $0x1  }
0x2: {  	[smem:$0x3F9C] =	sst lr;
	_ =	strace $0xD0000000  }
0x3: {  	_ = 	snop  }
0x4: {  	_ = 	snop  }
0x5: {  	_ = 	snop  }
0x6: {  	_ = 	snop  }
0x7: {  	_ = 	snop  }
__scs_overlays_trampoline_lowered:
0x8: {  	[smem:$0x3FAB] =	sst s0  }
0x9: {  	[smem:$0x3FAC] =	sst s1  }
0xa: {  	[smem:$0x3FAD] =	sst s2  }
0xb: {  	[smem:$0x3FAE] =	sst s3  }
0xc: {  	[smem:$0x3FAF] =	sst s4  }
0xd: {  	[smem:$0x3FB0] =	sst s5  }
0xe: {  	[smem:$0x3FB1] =	sst s6  }
0xf: {  	[smem:$0x3FB2] =	sst s7  }
0x10: {  	[smem:$0x3FB3] =	sst s8  }
0x11: {  	[smem:$0x3FB4] =	sst s9;
	s0 =	simm.s32 @!p0 $0x0  }
0x12: {  	s1 =	sld [smem:$0x3F9A];
	s0 =	simm.s32 @p0 $0x1  }
0x13: {  	[smem:$0x3FB5] =	sst s0;
	s0 =	simm.s32 @!p1 $0x0  }
0x14: {  	s2 =	sld [smem:$0x3F99];
	s0 =	simm.s32 @p1 $0x1  }
0x15: {  	[smem:$0x3FB6] =	sst s0;
	s0 =	simm.s32 @!p2 $0x0  }
0x16: {  	s3 =	sld [smem:$0x3FDB];
	s0 =	simm.s32 @p2 $0x1  }
0x17: {  	s4 =	simm.s32 $0x1BF5;
	[smem:$0x3FB8] =	sst s0  }
0x18: {  	s0 =	sld [smem:$0x3F9B];
	_ =	swait.ge [sflag:s4], $0x0  }
0x19: {  	s7 =	sld [smem:$0x3F9C]  }
0x1a: {  	s8 =	sadd.s32 $0xFFFFE003, lr  }
0x1b: {  	s9 =	sadd.s32 $0xFFFFFEF7, lr;
	s5 =	simm.s32 $0xFFFFFFFF;
	p2 =	slt.u32 s8, $0xFFFFF086  }
0x1c: {  	p1 =	slt.u32 s9, $0xF7A;
	s5 =	simm.s32 @!p2 $0x0  }
0x1d: {  	s5 =	simm.s32 @p1 $0x1;
	p0 =	seq.s32 s7, s2  }
0x1e: {  	s7 =	smul.u32 @!p0 $0xF7A, s2;
	p2 =	seq.s32 @!p0 s5, $0x0  }
0x1f: {  	s9 =	smul.u32 $0xF7A, s1;
	s8 =	simm.s32 @!p0 $0x1BF5;
	p2 =	por !p2, p0  }
0x20: {  	[sflag:s8] =	ssyncset.s32 @!p0 $0xFFFFF086;
	s6 =	sadd.s32 @!p0 s3, s7;
	s7 =	simm.s32 @!p0 $0x108  }
0x21: {  	s3 =	sadd.s32 s3, s9;
	s6 =	sadd.s32 @!p0 $0x88, s6;
	s7 =	simm.s32 @p2 $0x1082  }
0x22: {  	[simem:s7], [sflag:s8] =	dma.local @!p0 [hbm:s6], $0xF7A  }
0x23: {  	s9 =	sor.u32 $0xD0000000, s2;
	s6 =	simm.s32 $0x108;
	_ =	swait.ge @!p0 [sflag:s8], $0x0  }
0x24: {  	s3 =	sadd.s32 $0x88, s3;
	s6 =	simm.s32 @!p1 $0x1082;
	[sflag:s4] =	ssyncset.s32 $0xFFFFF086  }
0x25: {  	[simem:s6], [sflag:s4] =	dma.local [hbm:s3], $0xF7A  }
0x26: {  	[smem:$0x3F9C] =	sst s1;
	(tag) =	ssettag s2;
	_ =	strace s9  }
0x27: {  	s1 =	sld [smem:$0x3FAC]  }
0x28: {  	s2 =	sld [smem:$0x3FAD]  }
0x29: {  	s4 =	sld [smem:$0x3FAF]  }
0x2a: {  	p0 =	seq.s32 s5, $0x0;
	s5 =	sld [smem:$0x3FB0]  }
0x2b: {  	s6 =	sld [smem:$0x3FB1]  }
0x2c: {  	s7 =	sld [smem:$0x3FB2]  }
0x2d: {  	s3 =	simm.s32 $0x108;
	s8 =	sld [smem:$0x3FB3]  }
0x2e: {  	s3 =	simm.s32 @!p0 $0x1082;
	s9 =	sld [smem:$0x3FB4]  }
0x2f: {  	lr =	sadd.s32 s0, s3;
	s0 =	sld [smem:$0x3FAB]  }
0x30: {  	s3 =	sld [smem:$0x3FAE]  }
0x31: {  	[smem:$0x3FB7] =	sst s10  }
0x32: {  	s10 =	sld [smem:$0x3FB5];
	_ =	sdelay $0x3  }
0x33: {  	p0 =	seq.s32 s10, $0x1;
	s10 =	sld [smem:$0x3FB7];
	_ =	sdelay $0x3  }
0x34: {  	[smem:$0x3FB7] =	sst s10  }
0x35: {  	s10 =	sld [smem:$0x3FB6];
	_ =	sdelay $0x3  }
0x36: {  	p1 =	seq.s32 s10, $0x1;
	s10 =	sld [smem:$0x3FB7];
	_ =	sdelay $0x3  }
0x37: {  	[smem:$0x3FB7] =	sst s10  }
0x38: {  	s10 =	sld [smem:$0x3FB8]  }
0x39: {  	_ = 	snop;
	(pc) =	sbr.ind lr, $3  }
0x3a: {  	_ = 	snop  }
0x3b: {  	_ = 	snop  }
0x3c: {  	p2 =	seq.s32 s10, $0x1;
	s10 =	sld [smem:$0x3FB7]  }
0x3d: {  	_ =	shalt  }
0x3e: {  	_ =	shalt  }
0x3f: {  	_ =	shalt  }
0x40: {  	_ =	shalt  }
0x41: {  	_ =	shalt  }
0x42: {  	_ =	shalt  }
0x43: {  	_ =	shalt  }
0x44: {  	_ =	shalt  }
0x45: {  	_ =	shalt  }
0x46: {  	_ =	shalt  }
0x47: {  	_ =	shalt  }
0x48: {  	_ =	shalt  }
0x49: {  	_ =	shalt  }
0x4a: {  	_ =	shalt  }
0x4b: {  	_ =	shalt  }
0x4c: {  	_ =	shalt  }
0x4d: {  	_ =	shalt  }
0x4e: {  	_ =	shalt  }
0x4f: {  	_ =	shalt  }
0x50: {  	_ =	shalt  }
0x51: {  	_ =	shalt  }
0x52: {  	_ =	shalt  }
0x53: {  	_ =	shalt  }
0x54: {  	_ =	shalt  }
0x55: {  	_ =	shalt  }
0x56: {  	_ =	shalt  }
0x57: {  	_ =	shalt  }
0x58: {  	_ =	shalt  }
0x59: {  	_ =	shalt  }
0x5a: {  	_ =	shalt  }
0x5b: {  	_ =	shalt  }
0x5c: {  	_ =	shalt  }
0x5d: {  	_ =	shalt  }
0x5e: {  	_ =	shalt  }
0x5f: {  	_ =	shalt  }
0x60: {  	_ =	shalt  }
0x61: {  	_ =	shalt  }
0x62: {  	_ =	shalt  }
0x63: {  	_ =	shalt  }
0x64: {  	_ =	shalt  }
0x65: {  	_ =	shalt  }
0x66: {  	_ =	shalt  }
0x67: {  	_ =	shalt  }
0x68: {  	_ =	shalt  }
0x69: {  	_ =	shalt  }
0x6a: {  	_ =	shalt  }
0x6b: {  	_ =	shalt  }
0x6c: {  	_ =	shalt  }
0x6d: {  	_ =	shalt  }
0x6e: {  	_ =	shalt  }
0x6f: {  	_ =	shalt  }
0x70: {  	_ =	shalt  }
0x71: {  	_ =	shalt  }
0x72: {  	_ =	shalt  }
0x73: {  	_ =	shalt  }
0x74: {  	_ =	shalt  }
0x75: {  	_ =	shalt  }
0x76: {  	_ =	shalt  }
0x77: {  	_ =	shalt  }
0x78: {  	_ =	shalt  }
0x79: {  	_ =	shalt  }
0x7a: {  	_ =	shalt  }
0x7b: {  	_ =	shalt  }
0x7c: {  	_ =	shalt  }
0x7d: {  	_ =	shalt  }
0x7e: {  	_ =	shalt  }
0x7f: {  	_ =	shalt  }
0x80: {  	_ =	shalt  }
0x81: {  	_ =	shalt  }
0x82: {  	_ =	shalt  }
0x83: {  	_ =	shalt  }
0x84: {  	_ =	shalt  }
0x85: {  	_ =	shalt  }
0x86: {  	_ =	shalt  }
0x87: {  	_ =	shalt  }
.Lfunc_end0:
.L_simem_size_0:
called_computation_lowered:
.L_overlay_start_0:
0x88: {  	s2 =	sld [smem:$0x3FD9]  }
0x89: {  	s3 =	sld [smem:$0x3FFE];
	_ =	sdelay $0x1  }
0x8a: {  	s1 =	srdreg.scid  }
0x8b: {  	s0 =	sand.u32 $0x1, s1  }
0x8c: {  	s17 =	sshll.u32 s0, $0xA;
	s2 =	sadd.s32 s3, s2  }
0x8d: {  	s2 =	sadd.s32 s2, s17  }
0x8e: {  	[smem:$0x3FC3] =	sst s2  }
0x8f: {  	_ = 	snop  }
0x90: {  	s2 =	sld [smem:$0x3FD0];
	(tm) =	ssettm $0x1  }
0x91: {  	s18 =	sld [smem:$0x3FFB];
	_ =	sdelay $0x3  }
0x92: {  	_ =	strace s18  }
0x93: {  	s3 =	sld [smem:$0x3FFC];
	_ =	sdelay $0x3  }
0x94: {  	_ =	strace s3  }
0x95: {  	s3 =	sld [smem:$0x3FFD];
	_ =	sdelay $0x3  }
0x96: {  	_ =	strace s3  }
0x97: {  	_ =	strace $0x8FFFFFFF  }
0x98: {  	s19 =	sld [smem:$0x3FDB];
	_ =	sdelay $0x1  }
0x99: {  	s4 =	simm.s32 $_scs_section_size  }
0x9a: {  	s5 =	simm.s32 $_size__tile_overlayer_lowered;
	s6 =	simm.s32 $_tile_overlayer_lowered  }
0x9b: {  	s22 =	simm.s32 $0x1BFF;
	s21 =	sshll.u32 s6, $0x1;
	s3 =	sadd.s32 s4, s19  }
0x9c: {  	s7 =	simm.s32 $0x0;
	s20 =	sshll.u32 s5, $0x1;
	s5 =	sadd.s32 s21, s3  }
0x9d: {  	[timem:s7], [sflag:s22] =	dma.local [hbm:s5], s20  }
0x9e: {  	_ =	swait.ge [sflag:s22], s20  }
0x9f: {  	s4 =	ssub.s32 $0x0, s20;
	[sflag:s22] =	ssyncset.done $0x0  }
0xa0: {  	[sflag:s22] =	ssyncadd.s32 s4;
	_ =	sdelay $0x1  }
0xa1: {  	s23 =	simm.s32 $0x1B8B  }
0xa2: {  	_ =	swait.ge [sflag:s23], $0x1  }
0xa3: {  	[sflag:s23] =	ssyncset.done $0x0  }
0xa4: {  	s25 =	simm.s32 $0x1B8E;
	s24 =	sld [smem:$0x3FFE];
	[sflag:s23] =	ssyncadd.s32 $0xFFFFFFFF  }
0xa5: {  	s26 =	simm.s32 $execute0_lowered;
	[smem:$0x3FD2] =	sst s25  }
0xa6: {  	s5 =	sshll.u32 s26, $0x1;
	_ =	strace $0x80000046;
	[dreg:$0x1] =	wrdreg $0xFFFFFFFF  }
0xa7: {  	s28 =	simm.s32 $_size_execute0_lowered;
	s3 =	sadd.s32 s3, s5;
	[dreg:$0x0] =	wrdreg $0x0  }
0xa8: {  	s5 =	sshll.u32 s28, $0x1;
	[dreg:$0x2] =	wrdreg s3  }
0xa9: {  	[dreg:$0x3] =	wrdreg s5  }
0xaa: {  	[dreg:$0x4] =	wrdreg $0xC0  }
0xab: {  	_ =	task [dreg:s7], $0x5FFFF  }
0xac: {  	[dreg:$0x1] =	wrdreg $0xFFFFFFFF  }
0xad: {  	[dreg:$0x0] =	wrdreg $0x60  }
0xae: {  	[dreg:$0x2] =	wrdreg s2  }
0xaf: {  	[dreg:$0x3] =	wrdreg s24  }
0xb0: {  	[dreg:$0x4] =	wrdreg $0x9  }
0xb1: {  	_ =	task.clear_ibuf [dreg:s7], $0x5FFFF;
	_ =	strace $0x90000046  }
0xb2: {  	s29 =	simm.s32 $0x9;
	_ =	strace $0x80000048  }
0xb3: {  	_ =	swait.ge [sflag:s29], $0x1  }
0xb4: {  	[sflag:s29] =	ssyncadd.s32 $0xFFFFFFFF  }
0xb5: {  	_ =	strace $0x90000048  }
0xb6: {  	_ =	sfence  }
0xb7: {  	s30 =	sld [smem:$0x0];
	_ =	sdelay $0x2  }
0xb8: {  	s31 =	sshll.u32 s1, $0xD;
	s1 =	sshrl.u32 s1, $0x2  }
0xb9: {  	s3 =	sand.u32 $0x4000, s31;
	s1 =	sadd.s32 s1, s30  }
0xba: {  	s0 =	sor.u32 s3, s0;
	s1 =	sshll.u32 s1, $0x11  }
0xbb: {  	s0 =	sor.u32 s1, s0  }
0xbc: {  	s0 =	sadd.s32 $0x8F2B, s0  }
0xbd: {  	[sflag:s0] =	ssyncadd.remote.s32 $0x1  }
0xbe: {  	_ =	sfence.sel $0xFFFF  }
0xbf: {  	[dreg:$0x0] =	wrdreg $0xFFFFFFFF;
	(pc) =	sbr.abs _section_cstart, $3  }
0xc0: {  	[dreg:$0x1] =	wrdreg $0xFFFFFFFF  }
0xc1: {  	_ =	task.clear_ibuf [dreg:s7], $0x2FFFF;
	_ =	strace $0x9FFFFFFF  }
0xc2: {  	(tm) =	ssettm $0x7FFFFFFF  }
0xc3: {  	_ =	shalt  }
tec
execute0_lowered:
.L_overlay_start_1:
0x0: {  	(tag) =	ssettag $0x1  }
0x1: {  	s3 =	rddreg [dreg:$0x0]  }
0x2: {  	s5 =	rddreg [dreg:$0x1];
	s2 =	srdreg.scid  }
0x3: {  	s0 =	rddreg [dreg:$0x2];
	s1 =	stileid.u32;
	s7 =	sand.u32 $0x1, s2  }
0x4: {  	s2 =	simm.s32 $0x0;
	s4 =	sshll.u32 s1, $0x7;
	s6 =	sshll.u32 s7, $0x6  }
0x5: {  	[smem:$0x7FF] =	sst s2;
	s6 =	sor.u32 s6, s4  }
0x6: {  	_ =	strace $0x80000047;
	s4 =	sadd.s32 s3, s6;
	s3 =	simm.s32 $0x1  }
0x7: {  	[tilespmem:s2], [sflag:$0x1] =	stream.linear.gather [hbm4b:s4+s2], $0x200, $0x38;
	[tilespmem:$0x400] =	vst v63  }
0x8: {  	_ =	swait.ge [sflag:s3], $0x200  }
0x9: {  	[sflag:s3] =	ssyncset.done $0x0  }
0xa: {  	[sflag:s3] =	ssyncadd.s32 $0xFFFFFE00  }
0xb: {  	v1 =	vld [tilespmem:$0x0];
	_ =	sdelay $0x3  }
0xc: {  	v2 =	vld [tilespmem:$0x180]  }
0xd: {  	v3 =	vld [tilespmem:$0x80];
	(xrf0) =	vmax.scan.msk.f32 $0xffff, v1;
	_ =	sdelay $0x2  }
0xe: {  	v4 =	vld [tilespmem:$0x100]  }
0xf: {  	(xrf0) =	vmax.scan.msk.f32 $0xffff, v2  }
0x10: {  	(xrf0) =	vmax.scan.msk.f32 $0xffff, v3  }
0x11: {  	v0, _, _ =	vpop (xrf0)  }
0x12: {  	v5 =	vbroadcast v0, $0xF  }
0x13: {  	(xrf0) =	vmax.scan.msk.f32 $0xffff, v4  }
0x14: {  	vm0 =	veq.f32 v1, v5  }
0x15: {  	v6, _, _ =	vpop (xrf0);
	v10 =	vmctz.xlane vm0  }
0x16: {  	v7 =	vand.u32 $0x7FFFFFFF, v1;
	v0 =	vlaneseq.u32;
	v6 =	vbroadcast v6, $0xF;
	v8, _, _ =	vpop (xrf0)  }
0x17: {  	v11 =	vand.u32 $0x7FFFFFFF, v2;
	v8 =	vbroadcast v8, $0xF;
	vm2 =	veq.s32 v10, v0  }
0x18: {  	v9 =	vmax.f32 v7, v5;
	vm8 =	veq.f32 v2, v6;
	v13 =	vsel vm2, $0xFF800000, v1  }
0x19: {  	(erf) = vrcp.f32 v9;
	vm1 =	veq.f32 v3, v8;
	v9 =	vmctz.xlane vm8;
	v10, _, _ =	vpop (xrf0);
	(xrf0) =	vmax.scan.msk.f32 $0xffff, v13  }
0x1a: {  	v15 =	vmax.f32 v11, v6;
	v12 =	vmctz.xlane vm1  }
0x1b: {  	(erf) = vrcp.f32 v15;
	vm1 =	veq.s32 v9, v0  }
0x1c: {  	vm0 =	veq.s32 v12, v0;
	v9 =	vsel vm1, $0xFF800000, v2;
	v10 =	vbroadcast v10, $0xF  }
0x1d: {  	v14 =	vand.u32 $0x7FFFFFFF, v3;
	v12 =	vsel vm0, $0xFF800000, v3;
	(xrf0) =	vmax.scan.msk.f32 $0xffff, v9  }
0x1e: {  	v17 =	vand.u32 $0x7FFFFFFF, v4;
	v16 =	vmax.f32 v14, v8;
	(xrf0) =	vmax.scan.msk.f32 $0xffff, v12;
	vm3 =	veq.f32 v4, v10  }
0x1f: {  	(erf) = vrcp.f32 v16;
	v18 =	vmax.f32 v17, v10;
	v55 =	vmctz.xlane vm3;
	v57, _, _ =	vpop (xrf0)  }
0x20: {  	(erf) = vrcp.f32 v18;
	v18 =	vbroadcast v57, $0xF  }
0x21: {  	v56 =	vsub.f32 v5, v1;
	vm3 =	veq.s32 v55, v0  }
0x22: {  	v19 =	vpop (erf);
	v15 =	vsel vm3, $0xFF800000, v4;
	v7 =	vmax.f32 v7, v18  }
0x23: {  	v16 =	vmul.f32 v19, v56;
	v58, _, _ =	vpop (xrf0);
	(xrf0) =	vmax.scan.msk.f32 $0xffff, v15  }
0x24: {  	v20 =	vsub.f32 v6, v2;
	v19 =	vbroadcast v58, $0xF;
	v23, _, _ =	vpop (xrf0)  }
0x25: {  	vm4 =	vgt.f32 v16, $1.999999960e-02;
	(erf) = vrcp.f32 v7;
	v7 =	vpop (erf)  }
0x26: {  	v59 =	vbroadcast v23, $0xF;
	v11 =	vmax.f32 v11, v19;
	v7 =	vmul.f32 v7, v20  }
0x27: {  	v21 =	vsub.f32 v8, v3;
	v22 =	vsub.f32 v10, v4;
	v1 =	vsel vm4, $0xFF800000, v1  }
0x28: {  	v1 =	vsub.f32 v1, v5;
	v14 =	vmax.f32 v14, v59;
	(erf) = vrcp.f32 v11;
	v61 =	vpop (erf)  }
0x29: {  	v60 =	vsub.f32 v18, v13;
	(erf) = vrcp.f32 v14;
	v11, _, _ =	vpop (xrf0);
	v62 =	vmul.f32 v61, v21  }
0x2a: {  	v1 =	vmul.f32 $1.442695020e+00, v1;
	v11 =	vbroadcast v11, $0xF;
	vm9 =	vgt.f32 v7, $1.999999960e-02;
	v7 =	vpop (erf)  }
0x2b: {  	v2 =	vsel vm9, $0xFF800000, v2;
	vm10 =	vgt.f32 v62, $1.999999960e-02;
	v5 =	vmul.f32 v7, v22  }
0x2c: {  	v2 =	vsub.f32 v2, v6;
	v3 =	vsel vm10, $0xFF800000, v3;
	v7 =	vmax.f32 v17, v11  }
0x2d: {  	v3 =	vsub.f32 v3, v8;
	(erf) = vrcp.f32 v7;
	vm11 =	vgt.f32 v5, $1.999999960e-02  }
0x2e: {  	v2 =	vmul.f32 $1.442695020e+00, v2;
	v6 =	vpop (erf);
	(erf) = vpow2.f32 v1;
	v4 =	vsel vm11, $0xFF800000, v4  }
0x2f: {  	v6 =	vmul.f32 v6, v60;
	v1 =	vsub.f32 v4, v10  }
0x30: {  	v5 =	vsub.f32 v19, v9;
	(erf) = vpow2.f32 v2;
	v2 =	vmul.f32 $1.442695020e+00, v3  }
0x31: {  	vm12 =	veq.f32 v13, v18;
	v7 =	vpop (erf);
	v4 =	vsub.f32 v59, v12;
	v1 =	vmul.f32 $1.442695020e+00, v1  }
0x32: {  	v5 =	vmul.f32 v7, v5;
	v7 =	vpop (erf);
	vm5 =	vgt.f32 v6, $1.999999960e-02;
	(erf) = vpow2.f32 v2  }
0x33: {  	v2 =	vmul.f32 v7, v4;
	(erf) = vpow2.f32 v1;
	v1 =	vsel vm5, $0xFF800000, v13  }
0x34: {  	s7 =	ssub.s32 $0x2, s7;
	vm7 =	veq.f32 v9, v19;
	vm13 =	vgt.f32 v5, $1.999999960e-02;
	v4 =	vsub.f32 v1, v18  }
0x35: {  	s8 =	sshrl.u32 s7, $0x1;
	v3 =	vsub.f32 v11, v15;
	vm8 =	vgt.f32 v2, $1.999999960e-02;
	v2 =	vsel vm13, $0xFF800000, v9  }
0x36: {  	s7 =	ssub.s32 s7, s8;
	v5 =	vsel vm8, $0xFF800000, v12;
	v7 =	vsub.f32 v2, v19;
	v6 =	vpop (erf);
	v4 =	vmul.f32 $1.442695020e+00, v4  }
0x37: {  	s7 =	smax.u32 s7, $0x1;
	vm6 =	veq.f32 v12, v59;
	v5 =	vsub.f32 v5, v59;
	v3 =	vmul.f32 v6, v3;
	v9 =	vpop (erf)  }
0x38: {  	p0 =	sne.s32 s7, $0x1;
	vm14 =	veq.f32 v15, v11;
	v8 =	vmul.f32 $1.442695020e+00, v7;
	(xrf2) =	vadd.scan.msk.f32 $0xffff, v9;
	(erf) = vpow2.f32 v4  }
.Ltmp0:
0x39: {  	v1 =	vmctz.xlane vm12;
	v5 =	vmul.f32 $1.442695020e+00, v5;
	vm15 =	vgt.f32 v3, $1.999999960e-02;
	(pc) =	sbr.rel @!p0 .LBB2_2-.Ltmp0, $4  }
0x3a: {  	v2 =	vmctz.xlane vm6;
	v63 =	vpop (erf);
	v3 =	vsel vm15, $0xFF800000, v15;
	(erf) = vpow2.f32 v8  }
0x3b: {  	v6 =	vmctz.xlane vm7;
	(xrf2) =	vadd.scan.msk.f32 $0xffff, v63;
	v10 =	vpop (erf);
	v11 =	vsub.f32 v3, v11;
	(erf) = vpow2.f32 v5  }
0x3c: {  	s5 =	sadd.s32 s6, s5;
	v7 =	vnsel vm2, $0x0, v9;
	v4 =	vnsel vm1, $0x0, v63;
	v3 =	vmctz.xlane vm14;
	v9 =	vpop (erf)  }
0x3d: {  	s6 =	simm.s32 $0x200;
	s5 =	sadd.s32 $0xA00, s5;
	s7 =	sadd.s32 $0xFFFFFFFF, s7;
	v8 =	vnsel vm0, $0x0, v10;
	v11 =	vmul.f32 $1.442695020e+00, v11;
	v5 =	vnsel vm3, $0x0, v9  }
.LBB2_1:
0x3e: {  	p0 =	sne.s32 s7, $0x1;
	s7 =	sadd.s32 $0xFFFFFFFF, s7;
	(xrf2) =	vadd.scan.msk.f32 $0xffff, v10;
	_ =	sdelay $0x2  }
0x3f: {  	v10 =	vpop (erf)  }
0x40: {  	v12, _, _ =	vpop (xrf2);
	(xrf2) =	vadd.scan.msk.f32 $0xffff, v10  }
0x41: {  	v12 =	vbroadcast v12, $0xF;
	v13 =	vpop (erf)  }
0x42: {  	v14 =	vpop (erf);
	(erf) = vpow2.f32 v11  }
0x43: {  	(xrf2) =	vadd.scan.msk.f32 $0xffff, v14;
	v11, _, _ =	vpop (xrf2)  }
0x44: {  	v11 =	vbroadcast v11, $0xF;
	_ =	sdelay $0x1  }
0x45: {  	v15, _, _ =	vpop (xrf2);
	(erf) = vrcp.f32 v11;
	(xrf2) =	vadd.scan.msk.f32 $0xffff, v13  }
0x46: {  	v11 =	vbroadcast v15, $0xF;
	_ =	sdelay $0x1  }
0x47: {  	(erf) = vrcp.f32 v11;
	(xrf2) =	vadd.scan.msk.f32 $0xffff, v9  }
0x48: {  	v9, _, _ =	vpop (xrf2)  }
0x49: {  	v9 =	vbroadcast v9, $0xF;
	v11 =	vpop (erf)  }
0x4a: {  	(erf) = vrcp.f32 v12;
	(xrf2) =	vadd.scan.msk.f32 $0xffff, v11  }
0x4b: {  	v12, _, _ =	vpop (xrf2)  }
0x4c: {  	v15 =	vbroadcast v12, $0xF;
	(erf) = vrcp.f32 v9  }
0x4d: {  	v9 =	vpop (erf)  }
0x4e: {  	(erf) = vrcp.f32 v15;
	v12, _, _ =	vpop (xrf2)  }
0x4f: {  	v12 =	vbroadcast v12, $0xF  }
0x50: {  	v15 =	vpop (erf)  }
0x51: {  	v16, _, _ =	vpop (xrf2);
	(erf) = vrcp.f32 v12  }
0x52: {  	v17 =	vbroadcast v16, $0xF  }
0x53: {  	v16 =	vpop (erf)  }
0x54: {  	vm0 =	veq.s32 v1, v0;
	(erf) = vrcp.f32 v17;
	v1, _, _ =	vpop (xrf2)  }
0x55: {  	v10 =	vnsel vm0, $0x0, v10;
	v1 =	vbroadcast v1, $0xF;
	v12 =	vpop (erf)  }
0x56: {  	vm0 =	veq.s32 v2, v0;
	v7 =	vmul.f32 v16, v7;
	v10 =	vmul.f32 v12, v10  }
0x57: {  	v2 =	vnsel vm0, $0x0, v14;
	v12 =	vpop (erf);
	(erf) = vrcp.f32 v1  }
0x58: {  	v1 =	vadd.f32 v10, v7;
	v7 =	vmul.f32 v15, v8;
	v2 =	vmul.f32 v12, v2  }
0x59: {  	vm0 =	veq.s32 v6, v0  }
0x5a: {  	[tilespmem:$0x200] =	vst v1;
	v1 =	vadd.f32 v2, v7;
	v2 =	vnsel vm0, $0x0, v13;
	v6 =	vpop (erf)  }
0x5b: {  	v4 =	vmul.f32 v9, v4;
	v6 =	vmul.f32 v6, v2  }
0x5c: {  	[tilespmem:$0x280] =	vst v1  }
0x5d: {  	v1 =	vadd.f32 v6, v4;
	v2 =	vpop (erf);
	_ =	sdelay $0x1  }
0x5e: {  	vm0 =	veq.s32 v3, v0;
	[tilespmem:$0x380] =	vst v1  }
0x5f: {  	v1 =	vnsel vm0, $0x0, v11;
	v3 =	vpop (erf)  }
0x60: {  	v2 =	vmul.f32 v2, v5;
	v1 =	vmul.f32 v3, v1;
	_ =	sdelay $0x1  }
0x61: {  	v1 =	vadd.f32 v1, v2;
	_ =	sdelay $0x1  }
0x62: {  	[tilespmem:$0x300] =	vst v1  }
0x63: {  	[hbm4b:s5+s2] =	stream.linear.scatter [tilespmem:s6], [sflag:$0x1], $0x200, $0x38;
	[tilespmem:$0x400] =	vst v63  }
0x64: {  	_ =	swait.ge [sflag:s3], $0x200  }
0x65: {  	[sflag:s3] =	ssyncset.done $0x0  }
0x66: {  	[sflag:s3] =	ssyncadd.s32 $0xFFFFFE00  }
0x67: {  	[tilespmem:s2], [sflag:$0x1] =	stream.linear.gather [hbm4b:s4+s2], $0x200, $0x38;
	[tilespmem:$0x400] =	vst v63  }
0x68: {  	_ =	swait.ge [sflag:s3], $0x200  }
0x69: {  	[sflag:s3] =	ssyncset.done $0x0  }
0x6a: {  	[sflag:s3] =	ssyncadd.s32 $0xFFFFFE00  }
0x6b: {  	v1 =	vld [tilespmem:$0x0]  }
0x6c: {  	v2 =	vld [tilespmem:$0x180]  }
0x6d: {  	v3 =	vld [tilespmem:$0x80];
	_ =	sdelay $0x3  }
0x6e: {  	v4 =	vand.u32 $0x7FFFFFFF, v1;
	(xrf0) =	vmax.scan.msk.f32 $0xffff, v1  }
0x6f: {  	v5 =	vld [tilespmem:$0x100];
	(xrf0) =	vmax.scan.msk.f32 $0xffff, v2  }
0x70: {  	(xrf0) =	vmax.scan.msk.f32 $0xffff, v3;
	_ =	sdelay $0x3  }
0x71: {  	v6, _, _ =	vpop (xrf0);
	(xrf0) =	vmax.scan.msk.f32 $0xffff, v5  }
0x72: {  	v6 =	vbroadcast v6, $0xF;
	v7, _, _ =	vpop (xrf0)  }
0x73: {  	v9 =	vand.u32 $0x7FFFFFFF, v2;
	v8 =	vand.u32 $0x7FFFFFFF, v3;
	v7 =	vbroadcast v7, $0xF;
	v10, _, _ =	vpop (xrf0)  }
0x74: {  	vm0 =	veq.f32 v1, v6;
	v11 =	vmax.f32 v4, v6;
	v10 =	vbroadcast v10, $0xF  }
0x75: {  	v12 =	vmctz.xlane vm0;
	vm0 =	veq.f32 v2, v7;
	(erf) = vrcp.f32 v11  }
0x76: {  	vm2 =	veq.f32 v3, v10;
	v11 =	vmax.f32 v8, v10;
	v13 =	vmctz.xlane vm0  }
0x77: {  	v14 =	vmax.f32 v9, v7;
	vm1 =	veq.s32 v12, v0;
	v12 =	vmctz.xlane vm2;
	v15, _, _ =	vpop (xrf0)  }
0x78: {  	v16 =	vsel vm1, $0xFF800000, v1;
	v15 =	vbroadcast v15, $0xF;
	vm2 =	veq.s32 v13, v0  }
0x79: {  	vm0 =	veq.s32 v12, v0;
	v12 =	vand.u32 $0x7FFFFFFF, v5;
	v13 =	vsel vm2, $0xFF800000, v2;
	(xrf0) =	vmax.scan.msk.f32 $0xffff, v16  }
0x7a: {  	v17 =	vsel vm0, $0xFF800000, v3;
	vm3 =	veq.f32 v5, v15;
	(erf) = vrcp.f32 v14;
	(xrf0) =	vmax.scan.msk.f32 $0xffff, v13  }
0x7b: {  	v18 =	vmax.f32 v12, v15;
	v14 =	vmctz.xlane vm3;
	(erf) = vrcp.f32 v11;
	(xrf0) =	vmax.scan.msk.f32 $0xffff, v17  }
0x7c: {  	v19 =	vsub.f32 v7, v2;
	v11 =	vsub.f32 v6, v1  }
0x7d: {  	v20 =	vsub.f32 v10, v3;
	vm3 =	veq.s32 v14, v0;
	(erf) = vrcp.f32 v18  }
0x7e: {  	v14 =	vsub.f32 v15, v5;
	v18 =	vsel vm3, $0xFF800000, v5;
	v21 =	vpop (erf)  }
0x7f: {  	v11 =	vmul.f32 v21, v11;
	v21, _, _ =	vpop (xrf0);
	(xrf0) =	vmax.scan.msk.f32 $0xffff, v18  }
0x80: {  	v21 =	vbroadcast v21, $0xF;
	v22, _, _ =	vpop (xrf0)  }
0x81: {  	vm4 =	vgt.f32 v11, $1.999999960e-02;
	v11 =	vbroadcast v22, $0xF;
	v22, _, _ =	vpop (xrf0)  }
0x82: {  	v25 =	vmax.f32 v4, v21;
	v23 =	vsub.f32 v21, v16;
	v22 =	vbroadcast v22, $0xF  }
0x83: {  	v9 =	vmax.f32 v9, v11;
	v24 =	vsub.f32 v11, v13;
	(erf) = vrcp.f32 v25;
	v4 =	vpop (erf)  }
0x84: {  	v25 =	vmax.f32 v8, v22;
	v26 =	vmul.f32 v4, v19;
	v19 =	vpop (erf);
	(erf) = vrcp.f32 v9  }
0x85: {  	v1 =	vsel vm4, $0xFF800000, v1;
	v9 =	vsub.f32 v22, v17;
	(erf) = vrcp.f32 v25;
	v8, _, _ =	vpop (xrf0)  }
0x86: {  	v19 =	vmul.f32 v19, v20;
	v8 =	vbroadcast v8, $0xF;
	vm4 =	vgt.f32 v26, $1.999999960e-02;
	v4 =	vpop (erf)  }
0x87: {  	v1 =	vsub.f32 v1, v6;
	v4 =	vmul.f32 v4, v14;
	v2 =	vsel vm4, $0xFF800000, v2  }
0x88: {  	v6 =	vmax.f32 v12, v8;
	v12 =	vsub.f32 v8, v18;
	v2 =	vsub.f32 v2, v7  }
0x89: {  	v1 =	vmul.f32 $1.442695020e+00, v1;
	vm4 =	vgt.f32 v19, $1.999999960e-02;
	(erf) = vrcp.f32 v6  }
0x8a: {  	v3 =	vsel vm4, $0xFF800000, v3;
	vm4 =	vgt.f32 v4, $1.999999960e-02;
	v2 =	vmul.f32 $1.442695020e+00, v2  }
0x8b: {  	v3 =	vsub.f32 v3, v10;
	v5 =	vsel vm4, $0xFF800000, v5;
	(erf) = vpow2.f32 v1  }
0x8c: {  	vm5 =	veq.f32 v16, v21;
	v1 =	vsub.f32 v5, v15;
	v4 =	vpop (erf);
	(erf) = vpow2.f32 v2  }
0x8d: {  	vm6 =	veq.f32 v17, v22;
	v3 =	vmul.f32 $1.442695020e+00, v3;
	v2 =	vmul.f32 v4, v23;
	v4 =	vpop (erf)  }
0x8e: {  	vm4 =	veq.f32 v13, v11;
	v1 =	vmul.f32 $1.442695020e+00, v1;
	v4 =	vmul.f32 v4, v24;
	v5 =	vpop (erf)  }
0x8f: {  	vm7 =	vgt.f32 v2, $1.999999960e-02;
	v7 =	vmul.f32 v5, v9;
	(erf) = vpow2.f32 v3  }
0x90: {  	v3 =	vsel vm7, $0xFF800000, v16;
	vm7 =	vgt.f32 v4, $1.999999960e-02;
	(erf) = vpow2.f32 v1  }
0x91: {  	v3 =	vsub.f32 v3, v21;
	vm8 =	vgt.f32 v7, $1.999999960e-02;
	v6 =	vsel vm7, $0xFF800000, v13  }
0x92: {  	v1 =	vmctz.xlane vm5;
	v4 =	vsel vm8, $0xFF800000, v17;
	v5 =	vsub.f32 v6, v11;
	v2 =	vpop (erf)  }
0x93: {  	v3 =	vmul.f32 $1.442695020e+00, v3;
	v4 =	vsub.f32 v4, v22;
	v6 =	vmul.f32 v2, v12  }
0x94: {  	vm5 =	veq.f32 v18, v8;
	v2 =	vmctz.xlane vm6;
	v5 =	vmul.f32 $1.442695020e+00, v5;
	v7 =	vpop (erf)  }
0x95: {  	v9 =	vmul.f32 $1.442695020e+00, v4;
	vm6 =	vgt.f32 v6, $1.999999960e-02;
	(xrf2) =	vadd.scan.msk.f32 $0xffff, v7;
	(erf) = vpow2.f32 v3;
	v11 =	vpop (erf)  }
.Ltmp1:
0x96: {  	v7 =	vnsel vm1, $0x0, v7;
	v3 =	vsel vm6, $0xFF800000, v18;
	v4 =	vnsel vm2, $0x0, v11;
	(pc) =	sbr.rel @p0 .LBB2_1-.Ltmp1, $4  }
0x97: {  	v6 =	vmctz.xlane vm4;
	v12 =	vsub.f32 v3, v8;
	(erf) = vpow2.f32 v5  }
0x98: {  	v3 =	vmctz.xlane vm5;
	v10 =	vpop (erf);
	(erf) = vpow2.f32 v9;
	(xrf2) =	vadd.scan.msk.f32 $0xffff, v11  }
0x99: {  	v8 =	vnsel vm0, $0x0, v10;
	v11 =	vmul.f32 $1.442695020e+00, v12;
	v9 =	vpop (erf)  }
0x9a: {  	v5 =	vnsel vm3, $0x0, v9  }
.LBB2_2:
0x9b: {  	_ = 	snop  }
0x9c: {  	(erf) = vpow2.f32 v11;
	_ =	sdelay $0x3  }
0x9d: {  	(xrf2) =	vadd.scan.msk.f32 $0xffff, v10;
	v40 =	vpop (erf)  }
0x9e: {  	v41 =	vpop (erf)  }
0x9f: {  	(xrf2) =	vadd.scan.msk.f32 $0xffff, v40;
	v12 =	vpop (erf)  }
0xa0: {  	(xrf2) =	vadd.scan.msk.f32 $0xffff, v12  }
0xa1: {  	(xrf2) =	vadd.scan.msk.f32 $0xffff, v41  }
0xa2: {  	(xrf2) =	vadd.scan.msk.f32 $0xffff, v9;
	v42 =	vpop (erf)  }
0xa3: {  	(xrf2) =	vadd.scan.msk.f32 $0xffff, v42;
	_ =	sdelay $0x1  }
0xa4: {  	v13, _, _ =	vpop (xrf2)  }
0xa5: {  	v14, _, _ =	vpop (xrf2)  }
0xa6: {  	v14 =	vbroadcast v14, $0xF;
	v15, _, _ =	vpop (xrf2)  }
0xa7: {  	v15 =	vbroadcast v15, $0xF  }
0xa8: {  	v13 =	vbroadcast v13, $0xF;
	(erf) = vrcp.f32 v14;
	v16, _, _ =	vpop (xrf2)  }
0xa9: {  	(erf) = vrcp.f32 v15;
	v43 =	vbroadcast v16, $0xF;
	v44, _, _ =	vpop (xrf2)  }
0xaa: {  	(erf) = vrcp.f32 v13;
	v13 =	vbroadcast v44, $0xF;
	v45, _, _ =	vpop (xrf2)  }
0xab: {  	(erf) = vrcp.f32 v43;
	v14 =	vbroadcast v45, $0xF;
	v46, _, _ =	vpop (xrf2)  }
0xac: {  	(erf) = vrcp.f32 v13;
	v47 =	vbroadcast v46, $0xF;
	v48, _, _ =	vpop (xrf2)  }
0xad: {  	(erf) = vrcp.f32 v14;
	v49 =	vbroadcast v48, $0xF  }
0xae: {  	(erf) = vrcp.f32 v47  }
0xaf: {  	(erf) = vrcp.f32 v49;
	_ =	sdelay $0x1  }
0xb0: {  	v50 =	vpop (erf)  }
0xb1: {  	v51 =	vpop (erf)  }
0xb2: {  	v52 =	vpop (erf)  }
0xb3: {  	vm0 =	veq.s32 v1, v0;
	vm13 =	veq.s32 v2, v0;
	vm14 =	veq.s32 v6, v0;
	v53 =	vpop (erf)  }
0xb4: {  	vm15 =	veq.s32 v3, v0;
	v10 =	vnsel vm0, $0x0, v40;
	v57 =	vnsel vm14, $0x0, v41;
	v54 =	vpop (erf)  }
0xb5: {  	v2 =	vnsel vm13, $0x0, v12;
	v7 =	vmul.f32 v52, v7;
	v1 =	vmul.f32 v53, v10;
	v56 =	vpop (erf)  }
0xb6: {  	v61 =	vnsel vm15, $0x0, v42;
	v55 =	vmul.f32 v51, v8;
	v2 =	vmul.f32 v54, v2;
	v58 =	vpop (erf)  }
0xb7: {  	v59 =	vmul.f32 v50, v4;
	v1 =	vadd.f32 v1, v7;
	v60 =	vmul.f32 v56, v57;
	v62 =	vpop (erf)  }
0xb8: {  	v2 =	vadd.f32 v2, v55;
	v5 =	vmul.f32 v58, v5;
	v4 =	vmul.f32 v62, v61  }
0xb9: {  	[tilespmem:$0x200] =	vst v1;
	v0 =	vadd.f32 v60, v59  }
0xba: {  	[tilespmem:$0x280] =	vst v2;
	v63 =	vadd.f32 v4, v5  }
0xbb: {  	[tilespmem:$0x380] =	vst v0  }
0xbc: {  	[tilespmem:$0x300] =	vst v63  }
0xbd: {  	[hbm4b:s5+s2] =	stream.linear.scatter [tilespmem:s6], [sflag:$0x1], $0x200, $0x38;
	[tilespmem:$0x400] =	vst v63  }
0xbe: {  	_ =	swait.ge [sflag:s3], $0x200  }
0xbf: {  	[sflag:s3] =	ssyncset.done $0x0  }
0xc0: {  	[sflag:s3] =	ssyncadd.s32 $0xFFFFFE00  }
0xc1: {  	_ =	sfence.sel $0x180000  }
0xc2: {  	[bflag:$0x0] =	sbarrier.arrive $0xFFFF  }
0xc3: {  	p0 =	sne.s32 s1, $0x0;
	_ =	strace $0x90000047  }
0xc4: {  	s0 =	sadd.s32 @!p0 $0x100000, s0;
	[bflag:$0x2] =	sbarrier.arrive $0xFFFF  }
0xc5: {  	[sflag:s0] =	ssyncadd.tile.s32 @!p0 $0x1;
	_ =	shalt  }
.Lfunc_end2:
_tile_overlayer_lowered:
.L_overlay_start_2:
0xc6: {  	(tag) =	ssettag $0x2  }
0xc7: {  	s0 =	rddreg [dreg:$0x0];
	s2 =	stileid.u32  }
0xc8: {  	s1 =	rddreg [dreg:$0x1];
	p0 =	sne.s32 s2, $0x0  }
0xc9: {  	s3 =	rddreg [dreg:$0x2];
	[bflag:$0x3] =	sbarrier.arrive $0xFFFF;
	s2 =	simm.s32 @!p0 $0x1C01  }
0xca: {  	[timem:s3], [sflag:s2] =	dma.local @!p0 [hbm:s0], s1  }
0xcb: {  	s0 =	simm.s32 @!p0 $0x1  }
0xcc: {  	_ =	swait.ge @!p0 [sflag:s0], s1  }
0xcd: {  	s1 =	ssub.s32 @!p0 $0x0, s1;
	[sflag:s0] =	ssyncset.done @!p0 $0x0  }
0xce: {  	[sflag:s0] =	ssyncadd.s32 @!p0 s1  }
0xcf: {  	[bflag:$0x3] =	sbarrier.arrive $0xFFFF  }
0xd0: {  	_ =	shalt  }

</sc_bundles>
